<compile_context>
chip_gen: v7x
topology: tpu7x:2x2x1
jax: 0.10.2.dev20260603
libtpu: 0.0.44.dev20260713+nightly
codegen_flags: <defaults>
</compile_context>

<pallas_src>
import functools

import jax
import jax.numpy as jnp
import numpy as np
from jax import lax
from jax.experimental import pallas as pl
from jax.experimental.pallas import tpu as pltpu
from jax.experimental.pallas import tpu_sc as plsc

G, D, P = 20000, 128, 16
H = 128
PCA = 512
B = 16384
N = 32768

HP = H * P
NC, NS, L = 2, 16, 16
B2 = B // NC
SEG = 512
NPASS = B // SEG
WCAP = 2048
GROUP = 16
ROWS_TILE = SEG // NS
NBOUND = 48


def _table_transform_body(x_ref, w_ref, b_ref, th_ref, m_ref):
    x = x_ref[...]
    tg = x.shape[0]
    x2 = x.reshape(tg * P, D)
    y = jnp.dot(x2, w_ref[...], preferred_element_type=jnp.float32)
    y = y + b_ref[...]
    y = jnp.where(y >= 0, y, 0.01 * y)
    th_ref[...] = y.reshape(tg, P, H)
    s = jnp.sum(x, axis=2)
    m = (s != 0).astype(jnp.float32)
    m_ref[...] = jnp.concatenate(
        [m, jnp.zeros((tg, H - P), jnp.float32)], axis=1)


def _table_transform(tt, W1, b1r):
    TG = 1000
    grid = G // TG
    return pl.pallas_call(
        _table_transform_body,
        grid=(grid,),
        in_specs=[
            pl.BlockSpec((TG, P, D), lambda i: (i, 0, 0)),
            pl.BlockSpec((D, H), lambda i: (0, 0)),
            pl.BlockSpec((1, H), lambda i: (0, 0)),
        ],
        out_specs=[
            pl.BlockSpec((TG, P, H), lambda i: (i, 0, 0)),
            pl.BlockSpec((TG, H), lambda i: (i, 0)),
        ],
        out_shape=[
            jax.ShapeDtypeStruct((G, P, H), jnp.float32),
            jax.ShapeDtypeStruct((G, H), jnp.float32),
        ],
    )(tt, W1, b1r)


def _seg_body(th_hbm, mg_hbm, lg_hbm, lc_hbm, bnd_hbm, agg_hbm, magg_hbm,
              lgb, lcb, gidx, lcx, gbuf0, gbuf1, mbuf0, mbuf1, zbuf, zmb,
              bnd_v, acc, macc, semv0, semv1, semm0, semm1):
    c = lax.axis_index("c")
    s = lax.axis_index("s")

    pltpu.sync_copy(bnd_hbm, bnd_v)

    def _zb(k, carry):
        zbuf[k // (P * 8), (k // 8) % P, pl.ds((k % 8) * L, L)] = (
            jnp.zeros((L,), jnp.float32))
        return carry
    lax.fori_loop(0, 4 * P * 8, _zb, 0)

    def _zm(k, carry):
        zmb[k // 8, pl.ds((k % 8) * L, L)] = jnp.zeros((L,), jnp.float32)
        return carry
    lax.fori_loop(0, ROWS_TILE * 8, _zm, 0)

    def _zero_mine():
        for t in range(ROWS_TILE // 4):
            pltpu.sync_copy(zbuf, acc.at[pl.ds(s * ROWS_TILE + t * 4, 4)])
        pltpu.sync_copy(zmb, macc.at[pl.ds(s * ROWS_TILE, ROWS_TILE)])

    _zero_mine()

    @pl.when(s == 0)
    def _zdump():
        pltpu.sync_copy(zbuf, acc.at[pl.ds(SEG, 4)])
        pltpu.sync_copy(zbuf, acc.at[pl.ds(SEG + 4, 4)])
        pltpu.sync_copy(zmb.at[pl.ds(0, 8)], macc.at[pl.ds(SEG, 8)])

    plsc.subcore_barrier()

    def _pass(j, carry):
        i = c * (NPASS // NC) + j
        seg0 = i * SEG
        vb = bnd_v[pl.ds(i, L)]
        n0 = vb[0]
        n1 = vb[1]
        base0 = (n0 // 8) * 8
        span = n1 - base0
        nwin = (span + WCAP - 1) // WCAP

        def _win(w, carry2):
            off = base0 + w * WCAP
            pltpu.make_async_copy(lg_hbm.at[pl.ds(off, WCAP)], lgb, semv1).start()
            pltpu.make_async_copy(lc_hbm.at[pl.ds(off, WCAP)], lcb, semm1).start()
            pltpu.make_async_copy(lg_hbm.at[pl.ds(off, WCAP)], lgb, semv1).wait()
            pltpu.make_async_copy(lc_hbm.at[pl.ds(off, WCAP)], lcb, semm1).wait()
            lim = jnp.minimum(WCAP, n1 - off)
            ngroups = (lim + GROUP - 1) // GROUP
            K = (ngroups - s + NS - 1) // NS

            def _make_idx(k, slot):
                g = s + k * NS
                vlg = lgb[pl.ds(g * GROUP, L)]
                vlc = lcb[pl.ds(g * GROUP, L)]
                loc = vlc - seg0
                ok = (loc >= 0) & (loc < SEG)
                gidx[slot, pl.ds(0, L)] = vlg
                lcx[slot, pl.ds(0, L)] = jnp.where(ok, loc, SEG)

            def _start(slot, gb, mb, sv, sm):
                pltpu.make_async_copy(th_hbm.at[gidx.at[slot]], gb, sv).start()
                pltpu.make_async_copy(mg_hbm.at[gidx.at[slot]], mb, sm).start()

            def _drain(slot, gb, mb, sv, sm):
                pltpu.make_async_copy(th_hbm.at[gidx.at[slot]], gb, sv).wait()
                pltpu.sync_copy(gb, acc.at[lcx.at[slot]], add=True)
                pltpu.make_async_copy(mg_hbm.at[gidx.at[slot]], mb, sm).wait()
                pltpu.sync_copy(mb, macc.at[lcx.at[slot]], add=True)

            def _body(m, carry3):
                _make_idx(m, 0)
                _start(0, gbuf0, mbuf0, semv0, semm0)
                _drain(0, gbuf0, mbuf0, semv0, semm0)
                return carry3
            lax.fori_loop(0, K, _body, 0)
            return carry2
        lax.fori_loop(0, nwin, _win, 0)

        plsc.subcore_barrier()

        pltpu.sync_copy(acc.at[pl.ds(s * ROWS_TILE, ROWS_TILE)],
                        agg_hbm.at[pl.ds(seg0 + s * ROWS_TILE, ROWS_TILE)])
        pltpu.sync_copy(macc.at[pl.ds(s * ROWS_TILE, ROWS_TILE)],
                        magg_hbm.at[pl.ds(seg0 + s * ROWS_TILE, ROWS_TILE)])
        _zero_mine()

        @pl.when(s == 0)
        def _zdump2():
            pltpu.sync_copy(zbuf, acc.at[pl.ds(SEG, 4)])
            pltpu.sync_copy(zbuf, acc.at[pl.ds(SEG + 4, 4)])
            pltpu.sync_copy(zmb.at[pl.ds(0, 8)], macc.at[pl.ds(SEG, 8)])

        plsc.subcore_barrier()
        return carry
    lax.fori_loop(0, NPASS // NC, _pass, 0)


def _segment_aggregate(th3, maskg, lg1, lc1, bounds):
    f = pl.kernel(
        _seg_body,
        out_type=[
            jax.ShapeDtypeStruct((B, P, H), jnp.float32),
            jax.ShapeDtypeStruct((B, H), jnp.float32),
        ],
        mesh=plsc.VectorSubcoreMesh(core_axis_name="c", subcore_axis_name="s"),
        scratch_types=[
            pltpu.VMEM((WCAP,), jnp.int32),
            pltpu.VMEM((WCAP,), jnp.int32),
            pltpu.VMEM((2, GROUP), jnp.int32),
            pltpu.VMEM((2, GROUP), jnp.int32),
            pltpu.VMEM((GROUP, P, H), jnp.float32),
            pltpu.VMEM((1, P, H), jnp.float32),
            pltpu.VMEM((GROUP, H), jnp.float32),
            pltpu.VMEM((1, H), jnp.float32),
            pltpu.VMEM((4, P, H), jnp.float32),
            pltpu.VMEM((ROWS_TILE, H), jnp.float32),
            pltpu.VMEM((NBOUND,), jnp.int32),
            pltpu.VMEM_SHARED((SEG + 8, P, H), jnp.float32),
            pltpu.VMEM_SHARED((SEG + 8, H), jnp.float32),
            pltpu.SemaphoreType.DMA,
            pltpu.SemaphoreType.DMA,
            pltpu.SemaphoreType.DMA,
            pltpu.SemaphoreType.DMA,
        ],
    )
    return f(th3, maskg, lg1, lc1, bounds)


def _pool_mlp_body(ag_ref, mg_ref, wp_ref, wi1_ref, bi1_ref, wi2_ref,
                   bi2_ref, out_ref):
    wp = wp_ref[...]
    m = jnp.max(wp, axis=1, keepdims=True)
    e = jnp.exp(wp - m)
    a = e / jnp.sum(e, axis=1, keepdims=True)
    mg = mg_ref[...][:, :P]
    wm = (mg > 0).astype(jnp.float32) * a
    y = ag_ref[...] * wm[:, :, None]
    pooled = jnp.sum(y, axis=1)
    h1 = jnp.dot(pooled, wi1_ref[...], preferred_element_type=jnp.float32)
    h1 = h1 + bi1_ref[...]
    h1 = jnp.where(h1 >= 0, h1, 0.01 * h1)
    o = jnp.dot(h1, wi2_ref[...], preferred_element_type=jnp.float32)
    out_ref[...] = o + bi2_ref[...]


def _pool_mlp(agg3, magg, wpr, Wi1, bi1r, Wi2, bi2r):
    TB = 512
    grid = B // TB
    return pl.pallas_call(
        _pool_mlp_body,
        grid=(grid,),
        in_specs=[
            pl.BlockSpec((TB, P, H), lambda i: (i, 0, 0)),
            pl.BlockSpec((TB, H), lambda i: (i, 0)),
            pl.BlockSpec((1, P), lambda i: (0, 0)),
            pl.BlockSpec((H, H), lambda i: (0, 0)),
            pl.BlockSpec((1, H), lambda i: (0, 0)),
            pl.BlockSpec((H, PCA), lambda i: (0, 0)),
            pl.BlockSpec((1, PCA), lambda i: (0, 0)),
        ],
        out_specs=pl.BlockSpec((TB, PCA), lambda i: (i, 0)),
        out_shape=jax.ShapeDtypeStruct((B, PCA), jnp.float32),
    )(agg3, magg, wpr, Wi1, bi1r, Wi2, bi2r)


def kernel(table, W1, b1, w_path, Wi1, bi1, Wi2, bi2, locs_gene, locs_combos):
    tt = jnp.swapaxes(table, 1, 2)
    th3, maskg = _table_transform(tt, W1, b1.reshape(1, H))
    lg1 = jnp.concatenate([locs_gene, jnp.zeros((WCAP,), jnp.int32)])
    lc1 = jnp.concatenate([locs_combos, jnp.full((WCAP,), B, jnp.int32)])
    bounds = jnp.searchsorted(locs_combos,
                              jnp.arange(0, B + 1, SEG)).astype(jnp.int32)
    bounds = jnp.concatenate(
        [bounds, jnp.full((NBOUND - NPASS - 1,), N, jnp.int32)])
    agg3, magg = _segment_aggregate(th3, maskg, lg1, lc1, bounds)
    out = _pool_mlp(agg3, magg, w_path.reshape(1, P), Wi1,
                    bi1.reshape(1, H), Wi2, bi2.reshape(1, PCA))
    return (out, jnp.swapaxes(agg3, 1, 2))

# --- scband reference (transcript-rebuilt; emitter-appended) ---
"""Pipeline reference for scband-combo-presage-42288247997098 (READ-ONLY COPY).

The authoritative reference and input builder live on the scoring server;
editing this copy changes nothing except your own understanding.
"""

import jax, jax.numpy as jnp
import numpy as np

G, D, P = 20000, 128, 16   # genes, embedding dim, pathways
H = 128                    # item_hidden_size
PCA = 512                  # pca_dim (output dim)
B = 16384                  # number of combo conditions (segments)
N = 32768                  # number of perturbation locations
TEMP = 1.0                 # softmax temperature


def leaky_relu(x):
    return jax.nn.leaky_relu(x, negative_slope=0.01)


def setup_inputs(seed: int = 0) -> dict:
    key = jax.random.key(seed)
    ks = jax.random.split(key, 8)
    # gene embedding table, normalized by median pathway norm (as in __init__)
    table = jax.random.normal(ks[0], (G, D, P), dtype=jnp.float32)
    norms = jnp.linalg.norm(table, axis=1, keepdims=True)          # [G,1,P]
    med = jnp.median(norms, axis=(0, 1), keepdims=True)            # [1,1,P]
    med = jnp.where(med == 0, 1.0, med)
    table = table / med
    # nonzero locations of pert_inds: (combo row, gene col)
    locs_gene = jax.random.randint(ks[1], (N,), 0, G, dtype=jnp.int32)
    locs_combos = jnp.sort(jax.random.randint(ks[2], (N,), 0, B, dtype=jnp.int32))
    # pathway encoder MLP params (GeneEmbeddingTransformation, 'MLP')
    W1 = jax.random.normal(ks[3], (D, H), dtype=jnp.float32) / np.sqrt(D)
    b1 = jnp.zeros((H,), dtype=jnp.float32)
    # Pool: learnable pathway weight vector (softmax-weighted pooling over pathways)
    w_path = jax.random.normal(ks[4], (P,), dtype=jnp.float32) * 0.1
    # ItemNet MLP params
    Wi1 = jax.random.normal(ks[5], (H, H), dtype=jnp.float32) / np.sqrt(H)
    bi1 = jnp.zeros((H,), dtype=jnp.float32)
    Wi2 = jax.random.normal(ks[6], (H, PCA), dtype=jnp.float32) / np.sqrt(H)
    bi2 = jnp.zeros((PCA,), dtype=jnp.float32)
    return {"table": table, "W1": W1, "b1": b1, "w_path": w_path,
            "Wi1": Wi1, "bi1": bi1, "Wi2": Wi2, "bi2": bi2,
            "locs_gene": locs_gene, "locs_combos": locs_combos}


def reference(table, W1, b1, w_path, Wi1, bi1, Wi2, bi2, locs_gene, locs_combos):
    # --- forward_to_emb ---
    emb = jnp.take(table, locs_gene, axis=0)                        # [N,D,P] gather
    mask = (jnp.sum(emb, axis=1, keepdims=True) != 0).astype(jnp.float32)  # [N,1,P]
    # pathway encoder (MLP over embedding dim) + LeakyReLU
    emb_h = leaky_relu(jnp.einsum('ndp,dh->nhp', emb, W1) + b1[None, :, None])  # [N,H,P]
    # combo aggregation: sum embeddings of all genes in the same combo row
    # (the python loop over unique combos == segment_sum over combo ids)
    emb_h_agg = jax.ops.segment_sum(emb_h, locs_combos, num_segments=B)   # [B,H,P]
    mask_agg = jax.ops.segment_sum(mask, locs_combos, num_segments=B)     # [B,1,P]
    mask_agg = (mask_agg > 0).astype(jnp.float32)
    # --- Pool: softmax-weighted sum over pathways with mask ---
    a = jax.nn.softmax(w_path / TEMP)                                # [P]
    pooled = jnp.einsum('bhp,p->bh', emb_h_agg * mask_agg, a)        # [B,H]
    # --- emb_to_out: ItemNet MLP ---
    h = leaky_relu(pooled @ Wi1 + bi1)
    out = h @ Wi2 + bi2                                              # [B,PCA]
    return (out, emb_h_agg)

if __name__ == "__main__":
    import jax
    _d = setup_inputs()
    print(jax.jit(kernel)(*tuple(_d.values())))

</pallas_src>

<mosaic_0001>
#map = affine_map<(d0, d1) -> (0, 0, 0)>
#map1 = affine_map<(d0, d1) -> (0, 0)>
#map2 = affine_map<(d0, d1) -> (0)>
module attributes {stable_mosaic.version = 14 : i64} {
  func.func @_seg_body(%arg0: i32, %arg1: i32, %arg2: memref<20000x16x128xf32, #tpu.memory_space<hbm>>, %arg3: memref<20000x128xf32, #tpu.memory_space<hbm>>, %arg4: memref<34816xi32, #tpu.memory_space<hbm>>, %arg5: memref<34816xi32, #tpu.memory_space<hbm>>, %arg6: memref<48xi32, #tpu.memory_space<hbm>>, %arg7: memref<16384x16x128xf32, #tpu.memory_space<hbm>>, %arg8: memref<16384x128xf32, #tpu.memory_space<hbm>>, %arg9: memref<2048xi32, #tpu.memory_space<vmem>>, %arg10: memref<2048xi32, #tpu.memory_space<vmem>>, %arg11: memref<2x16xi32, #tpu.memory_space<vmem>>, %arg12: memref<2x16xi32, #tpu.memory_space<vmem>>, %arg13: memref<16x16x128xf32, #tpu.memory_space<vmem>>, %arg14: memref<1x16x128xf32, #tpu.memory_space<vmem>>, %arg15: memref<16x128xf32, #tpu.memory_space<vmem>>, %arg16: memref<1x128xf32, #tpu.memory_space<vmem>>, %arg17: memref<4x16x128xf32, #tpu.memory_space<vmem>>, %arg18: memref<32x128xf32, #tpu.memory_space<vmem>>, %arg19: memref<48xi32, #tpu.memory_space<vmem>>, %arg20: memref<520x16x128xf32, #tpu.memory_space<vmem_shared>>, %arg21: memref<520x128xf32, #tpu.memory_space<vmem_shared>>, %arg22: memref<!tpu.dma_semaphore, #tpu.memory_space<semaphore_mem>>, %arg23: memref<!tpu.dma_semaphore, #tpu.memory_space<semaphore_mem>>, %arg24: memref<!tpu.dma_semaphore, #tpu.memory_space<semaphore_mem>>, %arg25: memref<!tpu.dma_semaphore, #tpu.memory_space<semaphore_mem>>) attributes {dimension_semantics = [#tpu.dimension_semantics<core_parallel>, #tpu.dimension_semantics<subcore_parallel>], iteration_bounds = array<i64: 2, 16>, scalar_prefetch = 0 : i64, scratch_operands = 17 : i64, tpu.core_type = #tpu.core_type<sc_vector_subcore>, window_params = [{transform_indices = #map}, {transform_indices = #map1}, {transform_indices = #map2}, {transform_indices = #map2}, {transform_indices = #map2}, {transform_indices = #map}, {transform_indices = #map1}]} {
    "tpu.region"() ({
      %run_scoped3A = tpu.sem_alloc : memref<!tpu.dma_semaphore, #tpu.memory_space<semaphore_mem>>
      tpu.enqueue_dma source(%arg6 : memref<48xi32, #tpu.memory_space<hbm>>) target(%arg19 : memref<48xi32, #tpu.memory_space<vmem>>) target_semaphore(%run_scoped3A : memref<!tpu.dma_semaphore, #tpu.memory_space<semaphore_mem>>)
      tpu.wait_dma2 semaphore(%run_scoped3A : memref<!tpu.dma_semaphore, #tpu.memory_space<semaphore_mem>>) src(%arg6 : memref<48xi32, #tpu.memory_space<hbm>>) dst(%arg19 : memref<48xi32, #tpu.memory_space<vmem>>)
      tpu.yield
    }) : () -> ()
    %scan3A = arith.constant 0 : i32
    %scan3A_0 = arith.constant 0 : i32
    %scan3A_1 = arith.constant 512 : i32
    %scan3A_2 = arith.addi %scan3A_0, %scan3A_1 : i32
    %scan3A_3 = arith.constant 1 : i32
    scf.for %scan3A_51 = %scan3A_0 to %scan3A_2 step %scan3A_3  : i32 {
      %broadcast_in_dim3A = arith.constant 0.000000e+00 : f32
      %broadcast_in_dim3A_52 = vector.broadcast %broadcast_in_dim3A : f32 to vector<16xf32>
      %jit3A = arith.constant 128 : i32
      %div3A = arith.divsi %scan3A_51, %jit3A : i32
      %sign3A = arith.constant 0 : i32
      %sign3A_53 = arith.cmpi sgt, %scan3A_51, %sign3A : i32
      %sign3A_54 = arith.extui %sign3A_53 : i1 to i32
      %sign3A_55 = arith.constant 0 : i32
      %sign3A_56 = arith.cmpi slt, %scan3A_51, %sign3A_55 : i32
      %sign3A_57 = arith.extui %sign3A_56 : i1 to i32
      %sign3A_58 = arith.subi %sign3A_54, %sign3A_57 : i32
      %sign3A_59 = arith.constant 0 : i32
      %sign3A_60 = arith.cmpi sgt, %jit3A, %sign3A_59 : i32
      %sign3A_61 = arith.extui %sign3A_60 : i1 to i32
      %sign3A_62 = arith.constant 0 : i32
      %sign3A_63 = arith.cmpi slt, %jit3A, %sign3A_62 : i32
      %sign3A_64 = arith.extui %sign3A_63 : i1 to i32
      %sign3A_65 = arith.subi %sign3A_61, %sign3A_64 : i32
      %ne3A = arith.cmpi ne, %sign3A_58, %sign3A_65 : i32
      %rem3A = arith.remsi %scan3A_51, %jit3A : i32
      %ne3A_66 = arith.constant 0 : i32
      %ne3A_67 = arith.cmpi ne, %rem3A, %ne3A_66 : i32
      %and3A = arith.andi %ne3A, %ne3A_67 : i1
      %sub3A = arith.constant 1 : i32
      %sub3A_68 = arith.subi %div3A, %sub3A : i32
      %select_n3A = arith.select %and3A, %sub3A_68, %div3A : i32
      %jit3A_69 = arith.constant 8 : i32
      %div3A_70 = arith.divsi %scan3A_51, %jit3A_69 : i32
      %sign3A_71 = arith.constant 0 : i32
      %sign3A_72 = arith.cmpi sgt, %scan3A_51, %sign3A_71 : i32
      %sign3A_73 = arith.extui %sign3A_72 : i1 to i32
      %sign3A_74 = arith.constant 0 : i32
      %sign3A_75 = arith.cmpi slt, %scan3A_51, %sign3A_74 : i32
      %sign3A_76 = arith.extui %sign3A_75 : i1 to i32
      %sign3A_77 = arith.subi %sign3A_73, %sign3A_76 : i32
      %sign3A_78 = arith.constant 0 : i32
      %sign3A_79 = arith.cmpi sgt, %jit3A_69, %sign3A_78 : i32
      %sign3A_80 = arith.extui %sign3A_79 : i1 to i32
      %sign3A_81 = arith.constant 0 : i32
      %sign3A_82 = arith.cmpi slt, %jit3A_69, %sign3A_81 : i32
      %sign3A_83 = arith.extui %sign3A_82 : i1 to i32
      %sign3A_84 = arith.subi %sign3A_80, %sign3A_83 : i32
      %ne3A_85 = arith.cmpi ne, %sign3A_77, %sign3A_84 : i32
      %rem3A_86 = arith.remsi %scan3A_51, %jit3A_69 : i32
      %ne3A_87 = arith.constant 0 : i32
      %ne3A_88 = arith.cmpi ne, %rem3A_86, %ne3A_87 : i32
      %and3A_89 = arith.andi %ne3A_85, %ne3A_88 : i1
      %sub3A_90 = arith.constant 1 : i32
      %sub3A_91 = arith.subi %div3A_70, %sub3A_90 : i32
      %select_n3A_92 = arith.select %and3A_89, %sub3A_91, %div3A_70 : i32
      %jit3A_93 = arith.constant 16 : i32
      %eq3A_94 = arith.constant 0 : i32
      %eq3A_95 = arith.cmpi eq, %jit3A_93, %eq3A_94 : i32
      %jit3A_96 = arith.constant 1 : i32
      %select_n3A_97 = arith.select %eq3A_95, %jit3A_96, %jit3A_93 : i32
      %rem3A_98 = arith.remsi %select_n3A_92, %select_n3A_97 : i32
      %ne3A_99 = arith.constant 0 : i32
      %ne3A_100 = arith.cmpi ne, %rem3A_98, %ne3A_99 : i32
      %lt3A = arith.constant 0 : i32
      %lt3A_101 = arith.cmpi slt, %rem3A_98, %lt3A : i32
      %lt3A_102 = arith.constant 0 : i32
      %lt3A_103 = arith.cmpi slt, %select_n3A_97, %lt3A_102 : i32
      %ne3A_104 = arith.xori %lt3A_101, %lt3A_103 : i1
      %and3A_105 = arith.andi %ne3A_104, %ne3A_100 : i1
      %add3A_106 = arith.addi %rem3A_98, %select_n3A_97 : i32
      %select_n3A_107 = arith.select %and3A_105, %add3A_106, %rem3A_98 : i32
      %jit3A_108 = arith.constant 8 : i32
      %eq3A_109 = arith.constant 0 : i32
      %eq3A_110 = arith.cmpi eq, %jit3A_108, %eq3A_109 : i32
      %jit3A_111 = arith.constant 1 : i32
      %select_n3A_112 = arith.select %eq3A_110, %jit3A_111, %jit3A_108 : i32
      %rem3A_113 = arith.remsi %scan3A_51, %select_n3A_112 : i32
      %ne3A_114 = arith.constant 0 : i32
      %ne3A_115 = arith.cmpi ne, %rem3A_113, %ne3A_114 : i32
      %lt3A_116 = arith.constant 0 : i32
      %lt3A_117 = arith.cmpi slt, %rem3A_113, %lt3A_116 : i32
      %lt3A_118 = arith.constant 0 : i32
      %lt3A_119 = arith.cmpi slt, %select_n3A_112, %lt3A_118 : i32
      %ne3A_120 = arith.xori %lt3A_117, %lt3A_119 : i1
      %and3A_121 = arith.andi %ne3A_120, %ne3A_115 : i1
      %add3A_122 = arith.addi %rem3A_113, %select_n3A_112 : i32
      %select_n3A_123 = arith.select %and3A_121, %add3A_122, %rem3A_113 : i32
      %mul3A_124 = arith.constant 16 : i32
      %mul3A_125 = arith.muli %select_n3A_123, %mul3A_124 : i32
      %swap3A = arith.index_cast %select_n3A : i32 to index
      %swap3A_126 = arith.index_cast %select_n3A_107 : i32 to index
      %swap3A_127 = arith.index_cast %mul3A_125 : i32 to index
      %swap3A_128 = tpu.vector_load %arg17[%swap3A, %swap3A_126, %swap3A_127] {strides = array<i32>} : memref<4x16x128xf32, #tpu.memory_space<vmem>>, vector<1x1x16xf32>,
      %swap3A_129 = vector.shape_cast %swap3A_128 : vector<1x1x16xf32> to vector<16xf32>
      %swap3A_130 = vector.shape_cast %broadcast_in_dim3A_52 : vector<16xf32> to vector<1x1x16xf32>
      tpu.vector_store %arg17[%swap3A, %swap3A_126, %swap3A_127], %swap3A_130 {strides = array<i32>} : memref<4x16x128xf32, #tpu.memory_space<vmem>>, vector<1x1x16xf32>,
    }
    %scan3A_4 = arith.constant 512 : i32
    %scan3A_5 = arith.constant 0 : i32
    %scan3A_6 = arith.constant 0 : i32
    %scan3A_7 = arith.constant 256 : i32
    %scan3A_8 = arith.addi %scan3A_6, %scan3A_7 : i32
    %scan3A_9 = arith.constant 1 : i32
    scf.for %scan3A_51 = %scan3A_6 to %scan3A_8 step %scan3A_9  : i32 {
      %broadcast_in_dim3A = arith.constant 0.000000e+00 : f32
      %broadcast_in_dim3A_52 = vector.broadcast %broadcast_in_dim3A : f32 to vector<16xf32>
      %jit3A = arith.constant 8 : i32
      %div3A = arith.divsi %scan3A_51, %jit3A : i32
      %sign3A = arith.constant 0 : i32
      %sign3A_53 = arith.cmpi sgt, %scan3A_51, %sign3A : i32
      %sign3A_54 = arith.extui %sign3A_53 : i1 to i32
      %sign3A_55 = arith.constant 0 : i32
      %sign3A_56 = arith.cmpi slt, %scan3A_51, %sign3A_55 : i32
      %sign3A_57 = arith.extui %sign3A_56 : i1 to i32
      %sign3A_58 = arith.subi %sign3A_54, %sign3A_57 : i32
      %sign3A_59 = arith.constant 0 : i32
      %sign3A_60 = arith.cmpi sgt, %jit3A, %sign3A_59 : i32
      %sign3A_61 = arith.extui %sign3A_60 : i1 to i32
      %sign3A_62 = arith.constant 0 : i32
      %sign3A_63 = arith.cmpi slt, %jit3A, %sign3A_62 : i32
      %sign3A_64 = arith.extui %sign3A_63 : i1 to i32
      %sign3A_65 = arith.subi %sign3A_61, %sign3A_64 : i32
      %ne3A = arith.cmpi ne, %sign3A_58, %sign3A_65 : i32
      %rem3A = arith.remsi %scan3A_51, %jit3A : i32
      %ne3A_66 = arith.constant 0 : i32
      %ne3A_67 = arith.cmpi ne, %rem3A, %ne3A_66 : i32
      %and3A = arith.andi %ne3A, %ne3A_67 : i1
      %sub3A = arith.constant 1 : i32
      %sub3A_68 = arith.subi %div3A, %sub3A : i32
      %select_n3A = arith.select %and3A, %sub3A_68, %div3A : i32
      %jit3A_69 = arith.constant 8 : i32
      %eq3A_70 = arith.constant 0 : i32
      %eq3A_71 = arith.cmpi eq, %jit3A_69, %eq3A_70 : i32
      %jit3A_72 = arith.constant 1 : i32
      %select_n3A_73 = arith.select %eq3A_71, %jit3A_72, %jit3A_69 : i32
      %rem3A_74 = arith.remsi %scan3A_51, %select_n3A_73 : i32
      %ne3A_75 = arith.constant 0 : i32
      %ne3A_76 = arith.cmpi ne, %rem3A_74, %ne3A_75 : i32
      %lt3A = arith.constant 0 : i32
      %lt3A_77 = arith.cmpi slt, %rem3A_74, %lt3A : i32
      %lt3A_78 = arith.constant 0 : i32
      %lt3A_79 = arith.cmpi slt, %select_n3A_73, %lt3A_78 : i32
      %ne3A_80 = arith.xori %lt3A_77, %lt3A_79 : i1
      %and3A_81 = arith.andi %ne3A_80, %ne3A_76 : i1
      %add3A_82 = arith.addi %rem3A_74, %select_n3A_73 : i32
      %select_n3A_83 = arith.select %and3A_81, %add3A_82, %rem3A_74 : i32
      %mul3A_84 = arith.constant 16 : i32
      %mul3A_85 = arith.muli %select_n3A_83, %mul3A_84 : i32
      %swap3A = arith.index_cast %select_n3A : i32 to index
      %swap3A_86 = arith.index_cast %mul3A_85 : i32 to index
      %swap3A_87 = tpu.vector_load %arg18[%swap3A, %swap3A_86] {strides = array<i32>} : memref<32x128xf32, #tpu.memory_space<vmem>>, vector<1x16xf32>,
      %swap3A_88 = vector.shape_cast %swap3A_87 : vector<1x16xf32> to vector<16xf32>
      %swap3A_89 = vector.shape_cast %broadcast_in_dim3A_52 : vector<16xf32> to vector<1x16xf32>
      tpu.vector_store %arg18[%swap3A, %swap3A_86], %swap3A_89 {strides = array<i32>} : memref<32x128xf32, #tpu.memory_space<vmem>>, vector<1x16xf32>,
    }
    %scan3A_10 = arith.constant 256 : i32
    %mul3A = arith.constant 32 : i32
    %mul3A_11 = arith.muli %arg1, %mul3A : i32
    %add3A = arith.constant 0 : i32
    %add3A_12 = arith.addi %mul3A_11, %add3A : i32
    "tpu.region"() ({
      %run_scoped3A = tpu.sem_alloc : memref<!tpu.dma_semaphore, #tpu.memory_space<semaphore_mem>>
      %dma_start3A = arith.constant 0 : i32
      %dma_start3A_51 = arith.constant 0 : i32
      %dma_start3A_52 = tpu.memref_slice %arg20[%add3A_12, %dma_start3A, %dma_start3A_51] : memref<520x16x128xf32, #tpu.memory_space<vmem_shared>> -> memref<4x16x128xf32, #tpu.memory_space<vmem_shared>>
      %dma_start3A_53 = arith.constant 0 : i32
      %dma_start3A_54 = arith.constant 0 : i32
      %dma_start3A_55 = tpu.memref_slice %arg20[%add3A_12, %dma_start3A_53, %dma_start3A_54] : memref<520x16x128xf32, #tpu.memory_space<vmem_shared>> -> memref<4x16x128xf32, #tpu.memory_space<vmem_shared>>
      tpu.enqueue_dma source(%arg17 : memref<4x16x128xf32, #tpu.memory_space<vmem>>) target(%dma_start3A_55 : memref<4x16x128xf32, #tpu.memory_space<vmem_shared>>) target_semaphore(%run_scoped3A : memref<!tpu.dma_semaphore, #tpu.memory_space<semaphore_mem>>)
      %dma_wait3A = arith.constant 0 : i32
      %dma_wait3A_56 = arith.constant 0 : i32
      %dma_wait3A_57 = tpu.memref_slice %arg20[%add3A_12, %dma_wait3A, %dma_wait3A_56] : memref<520x16x128xf32, #tpu.memory_space<vmem_shared>> -> memref<4x16x128xf32, #tpu.memory_space<vmem_shared>>
      %dma_wait3A_58 = arith.constant 0 : i32
      %dma_wait3A_59 = arith.constant 0 : i32
      %dma_wait3A_60 = tpu.memref_slice %arg20[%add3A_12, %dma_wait3A_58, %dma_wait3A_59] : memref<520x16x128xf32, #tpu.memory_space<vmem_shared>> -> memref<4x16x128xf32, #tpu.memory_space<vmem_shared>>
      tpu.wait_dma2 semaphore(%run_scoped3A : memref<!tpu.dma_semaphore, #tpu.memory_space<semaphore_mem>>) src(%arg17 : memref<4x16x128xf32, #tpu.memory_space<vmem>>) dst(%dma_wait3A_60 : memref<4x16x128xf32, #tpu.memory_space<vmem_shared>>)
      tpu.yield
    }) : () -> ()
    %mul3A_13 = arith.constant 32 : i32
    %mul3A_14 = arith.muli %arg1, %mul3A_13 : i32
    %add3A_15 = arith.constant 4 : i32
    %add3A_16 = arith.addi %mul3A_14, %add3A_15 : i32
    "tpu.region"() ({
      %run_scoped3A = tpu.sem_alloc : memref<!tpu.dma_semaphore, #tpu.memory_space<semaphore_mem>>
      %dma_start3A = arith.constant 0 : i32
      %dma_start3A_51 = arith.constant 0 : i32
      %dma_start3A_52 = tpu.memref_slice %arg20[%add3A_16, %dma_start3A, %dma_start3A_51] : memref<520x16x128xf32, #tpu.memory_space<vmem_shared>> -> memref<4x16x128xf32, #tpu.memory_space<vmem_shared>>
      %dma_start3A_53 = arith.constant 0 : i32
      %dma_start3A_54 = arith.constant 0 : i32
      %dma_start3A_55 = tpu.memref_slice %arg20[%add3A_16, %dma_start3A_53, %dma_start3A_54] : memref<520x16x128xf32, #tpu.memory_space<vmem_shared>> -> memref<4x16x128xf32, #tpu.memory_space<vmem_shared>>
      tpu.enqueue_dma source(%arg17 : memref<4x16x128xf32, #tpu.memory_space<vmem>>) target(%dma_start3A_55 : memref<4x16x128xf32, #tpu.memory_space<vmem_shared>>) target_semaphore(%run_scoped3A : memref<!tpu.dma_semaphore, #tpu.memory_space<semaphore_mem>>)
      %dma_wait3A = arith.constant 0 : i32
      %dma_wait3A_56 = arith.constant 0 : i32
      %dma_wait3A_57 = tpu.memref_slice %arg20[%add3A_16, %dma_wait3A, %dma_wait3A_56] : memref<520x16x128xf32, #tpu.memory_space<vmem_shared>> -> memref<4x16x128xf32, #tpu.memory_space<vmem_shared>>
      %dma_wait3A_58 = arith.constant 0 : i32
      %dma_wait3A_59 = arith.constant 0 : i32
      %dma_wait3A_60 = tpu.memref_slice %arg20[%add3A_16, %dma_wait3A_58, %dma_wait3A_59] : memref<520x16x128xf32, #tpu.memory_space<vmem_shared>> -> memref<4x16x128xf32, #tpu.memory_space<vmem_shared>>
      tpu.wait_dma2 semaphore(%run_scoped3A : memref<!tpu.dma_semaphore, #tpu.memory_space<semaphore_mem>>) src(%arg17 : memref<4x16x128xf32, #tpu.memory_space<vmem>>) dst(%dma_wait3A_60 : memref<4x16x128xf32, #tpu.memory_space<vmem_shared>>)
      tpu.yield
    }) : () -> ()
    %mul3A_17 = arith.constant 32 : i32
    %mul3A_18 = arith.muli %arg1, %mul3A_17 : i32
    %add3A_19 = arith.constant 8 : i32
    %add3A_20 = arith.addi %mul3A_18, %add3A_19 : i32
    "tpu.region"() ({
      %run_scoped3A = tpu.sem_alloc : memref<!tpu.dma_semaphore, #tpu.memory_space<semaphore_mem>>
      %dma_start3A = arith.constant 0 : i32
      %dma_start3A_51 = arith.constant 0 : i32
      %dma_start3A_52 = tpu.memref_slice %arg20[%add3A_20, %dma_start3A, %dma_start3A_51] : memref<520x16x128xf32, #tpu.memory_space<vmem_shared>> -> memref<4x16x128xf32, #tpu.memory_space<vmem_shared>>
      %dma_start3A_53 = arith.constant 0 : i32
      %dma_start3A_54 = arith.constant 0 : i32
      %dma_start3A_55 = tpu.memref_slice %arg20[%add3A_20, %dma_start3A_53, %dma_start3A_54] : memref<520x16x128xf32, #tpu.memory_space<vmem_shared>> -> memref<4x16x128xf32, #tpu.memory_space<vmem_shared>>
      tpu.enqueue_dma source(%arg17 : memref<4x16x128xf32, #tpu.memory_space<vmem>>) target(%dma_start3A_55 : memref<4x16x128xf32, #tpu.memory_space<vmem_shared>>) target_semaphore(%run_scoped3A : memref<!tpu.dma_semaphore, #tpu.memory_space<semaphore_mem>>)
      %dma_wait3A = arith.constant 0 : i32
      %dma_wait3A_56 = arith.constant 0 : i32
      %dma_wait3A_57 = tpu.memref_slice %arg20[%add3A_20, %dma_wait3A, %dma_wait3A_56] : memref<520x16x128xf32, #tpu.memory_space<vmem_shared>> -> memref<4x16x128xf32, #tpu.memory_space<vmem_shared>>
      %dma_wait3A_58 = arith.constant 0 : i32
      %dma_wait3A_59 = arith.constant 0 : i32
      %dma_wait3A_60 = tpu.memref_slice %arg20[%add3A_20, %dma_wait3A_58, %dma_wait3A_59] : memref<520x16x128xf32, #tpu.memory_space<vmem_shared>> -> memref<4x16x128xf32, #tpu.memory_space<vmem_shared>>
      tpu.wait_dma2 semaphore(%run_scoped3A : memref<!tpu.dma_semaphore, #tpu.memory_space<semaphore_mem>>) src(%arg17 : memref<4x16x128xf32, #tpu.memory_space<vmem>>) dst(%dma_wait3A_60 : memref<4x16x128xf32, #tpu.memory_space<vmem_shared>>)
      tpu.yield
    }) : () -> ()
    %mul3A_21 = arith.constant 32 : i32
    %mul3A_22 = arith.muli %arg1, %mul3A_21 : i32
    %add3A_23 = arith.constant 12 : i32
    %add3A_24 = arith.addi %mul3A_22, %add3A_23 : i32
    "tpu.region"() ({
      %run_scoped3A = tpu.sem_alloc : memref<!tpu.dma_semaphore, #tpu.memory_space<semaphore_mem>>
      %dma_start3A = arith.constant 0 : i32
      %dma_start3A_51 = arith.constant 0 : i32
      %dma_start3A_52 = tpu.memref_slice %arg20[%add3A_24, %dma_start3A, %dma_start3A_51] : memref<520x16x128xf32, #tpu.memory_space<vmem_shared>> -> memref<4x16x128xf32, #tpu.memory_space<vmem_shared>>
      %dma_start3A_53 = arith.constant 0 : i32
      %dma_start3A_54 = arith.constant 0 : i32
      %dma_start3A_55 = tpu.memref_slice %arg20[%add3A_24, %dma_start3A_53, %dma_start3A_54] : memref<520x16x128xf32, #tpu.memory_space<vmem_shared>> -> memref<4x16x128xf32, #tpu.memory_space<vmem_shared>>
      tpu.enqueue_dma source(%arg17 : memref<4x16x128xf32, #tpu.memory_space<vmem>>) target(%dma_start3A_55 : memref<4x16x128xf32, #tpu.memory_space<vmem_shared>>) target_semaphore(%run_scoped3A : memref<!tpu.dma_semaphore, #tpu.memory_space<semaphore_mem>>)
      %dma_wait3A = arith.constant 0 : i32
      %dma_wait3A_56 = arith.constant 0 : i32
      %dma_wait3A_57 = tpu.memref_slice %arg20[%add3A_24, %dma_wait3A, %dma_wait3A_56] : memref<520x16x128xf32, #tpu.memory_space<vmem_shared>> -> memref<4x16x128xf32, #tpu.memory_space<vmem_shared>>
      %dma_wait3A_58 = arith.constant 0 : i32
      %dma_wait3A_59 = arith.constant 0 : i32
      %dma_wait3A_60 = tpu.memref_slice %arg20[%add3A_24, %dma_wait3A_58, %dma_wait3A_59] : memref<520x16x128xf32, #tpu.memory_space<vmem_shared>> -> memref<4x16x128xf32, #tpu.memory_space<vmem_shared>>
      tpu.wait_dma2 semaphore(%run_scoped3A : memref<!tpu.dma_semaphore, #tpu.memory_space<semaphore_mem>>) src(%arg17 : memref<4x16x128xf32, #tpu.memory_space<vmem>>) dst(%dma_wait3A_60 : memref<4x16x128xf32, #tpu.memory_space<vmem_shared>>)
      tpu.yield
    }) : () -> ()
    %mul3A_25 = arith.constant 32 : i32
    %mul3A_26 = arith.muli %arg1, %mul3A_25 : i32
    %add3A_27 = arith.constant 16 : i32
    %add3A_28 = arith.addi %mul3A_26, %add3A_27 : i32
    "tpu.region"() ({
      %run_scoped3A = tpu.sem_alloc : memref<!tpu.dma_semaphore, #tpu.memory_space<semaphore_mem>>
      %dma_start3A = arith.constant 0 : i32
      %dma_start3A_51 = arith.constant 0 : i32
      %dma_start3A_52 = tpu.memref_slice %arg20[%add3A_28, %dma_start3A, %dma_start3A_51] : memref<520x16x128xf32, #tpu.memory_space<vmem_shared>> -> memref<4x16x128xf32, #tpu.memory_space<vmem_shared>>
      %dma_start3A_53 = arith.constant 0 : i32
      %dma_start3A_54 = arith.constant 0 : i32
      %dma_start3A_55 = tpu.memref_slice %arg20[%add3A_28, %dma_start3A_53, %dma_start3A_54] : memref<520x16x128xf32, #tpu.memory_space<vmem_shared>> -> memref<4x16x128xf32, #tpu.memory_space<vmem_shared>>
      tpu.enqueue_dma source(%arg17 : memref<4x16x128xf32, #tpu.memory_space<vmem>>) target(%dma_start3A_55 : memref<4x16x128xf32, #tpu.memory_space<vmem_shared>>) target_semaphore(%run_scoped3A : memref<!tpu.dma_semaphore, #tpu.memory_space<semaphore_mem>>)
      %dma_wait3A = arith.constant 0 : i32
      %dma_wait3A_56 = arith.constant 0 : i32
      %dma_wait3A_57 = tpu.memref_slice %arg20[%add3A_28, %dma_wait3A, %dma_wait3A_56] : memref<520x16x128xf32, #tpu.memory_space<vmem_shared>> -> memref<4x16x128xf32, #tpu.memory_space<vmem_shared>>
      %dma_wait3A_58 = arith.constant 0 : i32
      %dma_wait3A_59 = arith.constant 0 : i32
      %dma_wait3A_60 = tpu.memref_slice %arg20[%add3A_28, %dma_wait3A_58, %dma_wait3A_59] : memref<520x16x128xf32, #tpu.memory_space<vmem_shared>> -> memref<4x16x128xf32, #tpu.memory_space<vmem_shared>>
      tpu.wait_dma2 semaphore(%run_scoped3A : memref<!tpu.dma_semaphore, #tpu.memory_space<semaphore_mem>>) src(%arg17 : memref<4x16x128xf32, #tpu.memory_space<vmem>>) dst(%dma_wait3A_60 : memref<4x16x128xf32, #tpu.memory_space<vmem_shared>>)
      tpu.yield
    }) : () -> ()
    %mul3A_29 = arith.constant 32 : i32
    %mul3A_30 = arith.muli %arg1, %mul3A_29 : i32
    %add3A_31 = arith.constant 20 : i32
    %add3A_32 = arith.addi %mul3A_30, %add3A_31 : i32
    "tpu.region"() ({
      %run_scoped3A = tpu.sem_alloc : memref<!tpu.dma_semaphore, #tpu.memory_space<semaphore_mem>>
      %dma_start3A = arith.constant 0 : i32
      %dma_start3A_51 = arith.constant 0 : i32
      %dma_start3A_52 = tpu.memref_slice %arg20[%add3A_32, %dma_start3A, %dma_start3A_51] : memref<520x16x128xf32, #tpu.memory_space<vmem_shared>> -> memref<4x16x128xf32, #tpu.memory_space<vmem_shared>>
      %dma_start3A_53 = arith.constant 0 : i32
      %dma_start3A_54 = arith.constant 0 : i32
      %dma_start3A_55 = tpu.memref_slice %arg20[%add3A_32, %dma_start3A_53, %dma_start3A_54] : memref<520x16x128xf32, #tpu.memory_space<vmem_shared>> -> memref<4x16x128xf32, #tpu.memory_space<vmem_shared>>
      tpu.enqueue_dma source(%arg17 : memref<4x16x128xf32, #tpu.memory_space<vmem>>) target(%dma_start3A_55 : memref<4x16x128xf32, #tpu.memory_space<vmem_shared>>) target_semaphore(%run_scoped3A : memref<!tpu.dma_semaphore, #tpu.memory_space<semaphore_mem>>)
      %dma_wait3A = arith.constant 0 : i32
      %dma_wait3A_56 = arith.constant 0 : i32
      %dma_wait3A_57 = tpu.memref_slice %arg20[%add3A_32, %dma_wait3A, %dma_wait3A_56] : memref<520x16x128xf32, #tpu.memory_space<vmem_shared>> -> memref<4x16x128xf32, #tpu.memory_space<vmem_shared>>
      %dma_wait3A_58 = arith.constant 0 : i32
      %dma_wait3A_59 = arith.constant 0 : i32
      %dma_wait3A_60 = tpu.memref_slice %arg20[%add3A_32, %dma_wait3A_58, %dma_wait3A_59] : memref<520x16x128xf32, #tpu.memory_space<vmem_shared>> -> memref<4x16x128xf32, #tpu.memory_space<vmem_shared>>
      tpu.wait_dma2 semaphore(%run_scoped3A : memref<!tpu.dma_semaphore, #tpu.memory_space<semaphore_mem>>) src(%arg17 : memref<4x16x128xf32, #tpu.memory_space<vmem>>) dst(%dma_wait3A_60 : memref<4x16x128xf32, #tpu.memory_space<vmem_shared>>)
      tpu.yield
    }) : () -> ()
    %mul3A_33 = arith.constant 32 : i32
    %mul3A_34 = arith.muli %arg1, %mul3A_33 : i32
    %add3A_35 = arith.constant 24 : i32
    %add3A_36 = arith.addi %mul3A_34, %add3A_35 : i32
    "tpu.region"() ({
      %run_scoped3A = tpu.sem_alloc : memref<!tpu.dma_semaphore, #tpu.memory_space<semaphore_mem>>
      %dma_start3A = arith.constant 0 : i32
      %dma_start3A_51 = arith.constant 0 : i32
      %dma_start3A_52 = tpu.memref_slice %arg20[%add3A_36, %dma_start3A, %dma_start3A_51] : memref<520x16x128xf32, #tpu.memory_space<vmem_shared>> -> memref<4x16x128xf32, #tpu.memory_space<vmem_shared>>
      %dma_start3A_53 = arith.constant 0 : i32
      %dma_start3A_54 = arith.constant 0 : i32
      %dma_start3A_55 = tpu.memref_slice %arg20[%add3A_36, %dma_start3A_53, %dma_start3A_54] : memref<520x16x128xf32, #tpu.memory_space<vmem_shared>> -> memref<4x16x128xf32, #tpu.memory_space<vmem_shared>>
      tpu.enqueue_dma source(%arg17 : memref<4x16x128xf32, #tpu.memory_space<vmem>>) target(%dma_start3A_55 : memref<4x16x128xf32, #tpu.memory_space<vmem_shared>>) target_semaphore(%run_scoped3A : memref<!tpu.dma_semaphore, #tpu.memory_space<semaphore_mem>>)
      %dma_wait3A = arith.constant 0 : i32
      %dma_wait3A_56 = arith.constant 0 : i32
      %dma_wait3A_57 = tpu.memref_slice %arg20[%add3A_36, %dma_wait3A, %dma_wait3A_56] : memref<520x16x128xf32, #tpu.memory_space<vmem_shared>> -> memref<4x16x128xf32, #tpu.memory_space<vmem_shared>>
      %dma_wait3A_58 = arith.constant 0 : i32
      %dma_wait3A_59 = arith.constant 0 : i32
      %dma_wait3A_60 = tpu.memref_slice %arg20[%add3A_36, %dma_wait3A_58, %dma_wait3A_59] : memref<520x16x128xf32, #tpu.memory_space<vmem_shared>> -> memref<4x16x128xf32, #tpu.memory_space<vmem_shared>>
      tpu.wait_dma2 semaphore(%run_scoped3A : memref<!tpu.dma_semaphore, #tpu.memory_space<semaphore_mem>>) src(%arg17 : memref<4x16x128xf32, #tpu.memory_space<vmem>>) dst(%dma_wait3A_60 : memref<4x16x128xf32, #tpu.memory_space<vmem_shared>>)
      tpu.yield
    }) : () -> ()
    %mul3A_37 = arith.constant 32 : i32
    %mul3A_38 = arith.muli %arg1, %mul3A_37 : i32
    %add3A_39 = arith.constant 28 : i32
    %add3A_40 = arith.addi %mul3A_38, %add3A_39 : i32
    "tpu.region"() ({
      %run_scoped3A = tpu.sem_alloc : memref<!tpu.dma_semaphore, #tpu.memory_space<semaphore_mem>>
      %dma_start3A = arith.constant 0 : i32
      %dma_start3A_51 = arith.constant 0 : i32
      %dma_start3A_52 = tpu.memref_slice %arg20[%add3A_40, %dma_start3A, %dma_start3A_51] : memref<520x16x128xf32, #tpu.memory_space<vmem_shared>> -> memref<4x16x128xf32, #tpu.memory_space<vmem_shared>>
      %dma_start3A_53 = arith.constant 0 : i32
      %dma_start3A_54 = arith.constant 0 : i32
      %dma_start3A_55 = tpu.memref_slice %arg20[%add3A_40, %dma_start3A_53, %dma_start3A_54] : memref<520x16x128xf32, #tpu.memory_space<vmem_shared>> -> memref<4x16x128xf32, #tpu.memory_space<vmem_shared>>
      tpu.enqueue_dma source(%arg17 : memref<4x16x128xf32, #tpu.memory_space<vmem>>) target(%dma_start3A_55 : memref<4x16x128xf32, #tpu.memory_space<vmem_shared>>) target_semaphore(%run_scoped3A : memref<!tpu.dma_semaphore, #tpu.memory_space<semaphore_mem>>)
      %dma_wait3A = arith.constant 0 : i32
      %dma_wait3A_56 = arith.constant 0 : i32
      %dma_wait3A_57 = tpu.memref_slice %arg20[%add3A_40, %dma_wait3A, %dma_wait3A_56] : memref<520x16x128xf32, #tpu.memory_space<vmem_shared>> -> memref<4x16x128xf32, #tpu.memory_space<vmem_shared>>
      %dma_wait3A_58 = arith.constant 0 : i32
      %dma_wait3A_59 = arith.constant 0 : i32
      %dma_wait3A_60 = tpu.memref_slice %arg20[%add3A_40, %dma_wait3A_58, %dma_wait3A_59] : memref<520x16x128xf32, #tpu.memory_space<vmem_shared>> -> memref<4x16x128xf32, #tpu.memory_space<vmem_shared>>
      tpu.wait_dma2 semaphore(%run_scoped3A : memref<!tpu.dma_semaphore, #tpu.memory_space<semaphore_mem>>) src(%arg17 : memref<4x16x128xf32, #tpu.memory_space<vmem>>) dst(%dma_wait3A_60 : memref<4x16x128xf32, #tpu.memory_space<vmem_shared>>)
      tpu.yield
    }) : () -> ()
    %mul3A_41 = arith.constant 32 : i32
    %mul3A_42 = arith.muli %arg1, %mul3A_41 : i32
    "tpu.region"() ({
      %run_scoped3A = tpu.sem_alloc : memref<!tpu.dma_semaphore, #tpu.memory_space<semaphore_mem>>
      %dma_start3A = arith.constant 0 : i32
      %dma_start3A_51 = tpu.memref_slice %arg21[%mul3A_42, %dma_start3A] : memref<520x128xf32, #tpu.memory_space<vmem_shared>> -> memref<32x128xf32, #tpu.memory_space<vmem_shared>>
      %dma_start3A_52 = arith.constant 0 : i32
      %dma_start3A_53 = tpu.memref_slice %arg21[%mul3A_42, %dma_start3A_52] : memref<520x128xf32, #tpu.memory_space<vmem_shared>> -> memref<32x128xf32, #tpu.memory_space<vmem_shared>>
      tpu.enqueue_dma source(%arg18 : memref<32x128xf32, #tpu.memory_space<vmem>>) target(%dma_start3A_53 : memref<32x128xf32, #tpu.memory_space<vmem_shared>>) target_semaphore(%run_scoped3A : memref<!tpu.dma_semaphore, #tpu.memory_space<semaphore_mem>>)
      %dma_wait3A = arith.constant 0 : i32
      %dma_wait3A_54 = tpu.memref_slice %arg21[%mul3A_42, %dma_wait3A] : memref<520x128xf32, #tpu.memory_space<vmem_shared>> -> memref<32x128xf32, #tpu.memory_space<vmem_shared>>
      %dma_wait3A_55 = arith.constant 0 : i32
      %dma_wait3A_56 = tpu.memref_slice %arg21[%mul3A_42, %dma_wait3A_55] : memref<520x128xf32, #tpu.memory_space<vmem_shared>> -> memref<32x128xf32, #tpu.memory_space<vmem_shared>>
      tpu.wait_dma2 semaphore(%run_scoped3A : memref<!tpu.dma_semaphore, #tpu.memory_space<semaphore_mem>>) src(%arg18 : memref<32x128xf32, #tpu.memory_space<vmem>>) dst(%dma_wait3A_56 : memref<32x128xf32, #tpu.memory_space<vmem_shared>>)
      tpu.yield
    }) : () -> ()
    %eq3A = arith.constant 0 : i32
    %eq3A_43 = arith.cmpi eq, %arg1, %eq3A : i32
    %convert_element_type3A = arith.extui %eq3A_43 : i1 to i32
    %cond3A = arith.constant 0 : i32
    %cond3A_44 = arith.cmpi ne, %convert_element_type3A, %cond3A : i32
    scf.if %cond3A_44 {
      "tpu.region"() ({
        %run_scoped3A = tpu.sem_alloc : memref<!tpu.dma_semaphore, #tpu.memory_space<semaphore_mem>>
        %dma_start3A = arith.constant 512 : i32
        %dma_start3A_51 = arith.constant 0 : i32
        %dma_start3A_52 = arith.constant 0 : i32
        %dma_start3A_53 = tpu.memref_slice %arg20[%dma_start3A, %dma_start3A_51, %dma_start3A_52] : memref<520x16x128xf32, #tpu.memory_space<vmem_shared>> -> memref<4x16x128xf32, #tpu.memory_space<vmem_shared>>
        %dma_start3A_54 = arith.constant 512 : i32
        %dma_start3A_55 = arith.constant 0 : i32
        %dma_start3A_56 = arith.constant 0 : i32
        %dma_start3A_57 = tpu.memref_slice %arg20[%dma_start3A_54, %dma_start3A_55, %dma_start3A_56] : memref<520x16x128xf32, #tpu.memory_space<vmem_shared>> -> memref<4x16x128xf32, #tpu.memory_space<vmem_shared>>
        tpu.enqueue_dma source(%arg17 : memref<4x16x128xf32, #tpu.memory_space<vmem>>) target(%dma_start3A_57 : memref<4x16x128xf32, #tpu.memory_space<vmem_shared>>) target_semaphore(%run_scoped3A : memref<!tpu.dma_semaphore, #tpu.memory_space<semaphore_mem>>)
        %dma_wait3A = arith.constant 512 : i32
        %dma_wait3A_58 = arith.constant 0 : i32
        %dma_wait3A_59 = arith.constant 0 : i32
        %dma_wait3A_60 = tpu.memref_slice %arg20[%dma_wait3A, %dma_wait3A_58, %dma_wait3A_59] : memref<520x16x128xf32, #tpu.memory_space<vmem_shared>> -> memref<4x16x128xf32, #tpu.memory_space<vmem_shared>>
        %dma_wait3A_61 = arith.constant 512 : i32
        %dma_wait3A_62 = arith.constant 0 : i32
        %dma_wait3A_63 = arith.constant 0 : i32
        %dma_wait3A_64 = tpu.memref_slice %arg20[%dma_wait3A_61, %dma_wait3A_62, %dma_wait3A_63] : memref<520x16x128xf32, #tpu.memory_space<vmem_shared>> -> memref<4x16x128xf32, #tpu.memory_space<vmem_shared>>
        tpu.wait_dma2 semaphore(%run_scoped3A : memref<!tpu.dma_semaphore, #tpu.memory_space<semaphore_mem>>) src(%arg17 : memref<4x16x128xf32, #tpu.memory_space<vmem>>) dst(%dma_wait3A_64 : memref<4x16x128xf32, #tpu.memory_space<vmem_shared>>)
        tpu.yield
      }) : () -> ()
      "tpu.region"() ({
        %run_scoped3A = tpu.sem_alloc : memref<!tpu.dma_semaphore, #tpu.memory_space<semaphore_mem>>
        %dma_start3A = arith.constant 516 : i32
        %dma_start3A_51 = arith.constant 0 : i32
        %dma_start3A_52 = arith.constant 0 : i32
        %dma_start3A_53 = tpu.memref_slice %arg20[%dma_start3A, %dma_start3A_51, %dma_start3A_52] : memref<520x16x128xf32, #tpu.memory_space<vmem_shared>> -> memref<4x16x128xf32, #tpu.memory_space<vmem_shared>>
        %dma_start3A_54 = arith.constant 516 : i32
        %dma_start3A_55 = arith.constant 0 : i32
        %dma_start3A_56 = arith.constant 0 : i32
        %dma_start3A_57 = tpu.memref_slice %arg20[%dma_start3A_54, %dma_start3A_55, %dma_start3A_56] : memref<520x16x128xf32, #tpu.memory_space<vmem_shared>> -> memref<4x16x128xf32, #tpu.memory_space<vmem_shared>>
        tpu.enqueue_dma source(%arg17 : memref<4x16x128xf32, #tpu.memory_space<vmem>>) target(%dma_start3A_57 : memref<4x16x128xf32, #tpu.memory_space<vmem_shared>>) target_semaphore(%run_scoped3A : memref<!tpu.dma_semaphore, #tpu.memory_space<semaphore_mem>>)
        %dma_wait3A = arith.constant 516 : i32
        %dma_wait3A_58 = arith.constant 0 : i32
        %dma_wait3A_59 = arith.constant 0 : i32
        %dma_wait3A_60 = tpu.memref_slice %arg20[%dma_wait3A, %dma_wait3A_58, %dma_wait3A_59] : memref<520x16x128xf32, #tpu.memory_space<vmem_shared>> -> memref<4x16x128xf32, #tpu.memory_space<vmem_shared>>
        %dma_wait3A_61 = arith.constant 516 : i32
        %dma_wait3A_62 = arith.constant 0 : i32
        %dma_wait3A_63 = arith.constant 0 : i32
        %dma_wait3A_64 = tpu.memref_slice %arg20[%dma_wait3A_61, %dma_wait3A_62, %dma_wait3A_63] : memref<520x16x128xf32, #tpu.memory_space<vmem_shared>> -> memref<4x16x128xf32, #tpu.memory_space<vmem_shared>>
        tpu.wait_dma2 semaphore(%run_scoped3A : memref<!tpu.dma_semaphore, #tpu.memory_space<semaphore_mem>>) src(%arg17 : memref<4x16x128xf32, #tpu.memory_space<vmem>>) dst(%dma_wait3A_64 : memref<4x16x128xf32, #tpu.memory_space<vmem_shared>>)
        tpu.yield
      }) : () -> ()
      "tpu.region"() ({
        %run_scoped3A = tpu.sem_alloc : memref<!tpu.dma_semaphore, #tpu.memory_space<semaphore_mem>>
        %dma_start3A = arith.constant 0 : i32
        %dma_start3A_51 = arith.constant 0 : i32
        %dma_start3A_52 = tpu.memref_slice %arg18[%dma_start3A, %dma_start3A_51] : memref<32x128xf32, #tpu.memory_space<vmem>> -> memref<8x128xf32, #tpu.memory_space<vmem>>
        %dma_start3A_53 = arith.constant 512 : i32
        %dma_start3A_54 = arith.constant 0 : i32
        %dma_start3A_55 = tpu.memref_slice %arg21[%dma_start3A_53, %dma_start3A_54] : memref<520x128xf32, #tpu.memory_space<vmem_shared>> -> memref<8x128xf32, #tpu.memory_space<vmem_shared>>
        %dma_start3A_56 = arith.constant 512 : i32
        %dma_start3A_57 = arith.constant 0 : i32
        %dma_start3A_58 = tpu.memref_slice %arg21[%dma_start3A_56, %dma_start3A_57] : memref<520x128xf32, #tpu.memory_space<vmem_shared>> -> memref<8x128xf32, #tpu.memory_space<vmem_shared>>
        %dma_start3A_59 = arith.constant 0 : i32
        %dma_start3A_60 = arith.constant 0 : i32
        %dma_start3A_61 = tpu.memref_slice %arg18[%dma_start3A_59, %dma_start3A_60] : memref<32x128xf32, #tpu.memory_space<vmem>> -> memref<8x128xf32, #tpu.memory_space<vmem>>
        tpu.enqueue_dma source(%dma_start3A_61 : memref<8x128xf32, #tpu.memory_space<vmem>>) target(%dma_start3A_58 : memref<8x128xf32, #tpu.memory_space<vmem_shared>>) target_semaphore(%run_scoped3A : memref<!tpu.dma_semaphore, #tpu.memory_space<semaphore_mem>>)
        %dma_wait3A = arith.constant 0 : i32
        %dma_wait3A_62 = arith.constant 0 : i32
        %dma_wait3A_63 = tpu.memref_slice %arg18[%dma_wait3A, %dma_wait3A_62] : memref<32x128xf32, #tpu.memory_space<vmem>> -> memref<8x128xf32, #tpu.memory_space<vmem>>
        %dma_wait3A_64 = arith.constant 512 : i32
        %dma_wait3A_65 = arith.constant 0 : i32
        %dma_wait3A_66 = tpu.memref_slice %arg21[%dma_wait3A_64, %dma_wait3A_65] : memref<520x128xf32, #tpu.memory_space<vmem_shared>> -> memref<8x128xf32, #tpu.memory_space<vmem_shared>>
        %dma_wait3A_67 = arith.constant 512 : i32
        %dma_wait3A_68 = arith.constant 0 : i32
        %dma_wait3A_69 = tpu.memref_slice %arg21[%dma_wait3A_67, %dma_wait3A_68] : memref<520x128xf32, #tpu.memory_space<vmem_shared>> -> memref<8x128xf32, #tpu.memory_space<vmem_shared>>
        %dma_wait3A_70 = arith.constant 0 : i32
        %dma_wait3A_71 = arith.constant 0 : i32
        %dma_wait3A_72 = tpu.memref_slice %arg18[%dma_wait3A_70, %dma_wait3A_71] : memref<32x128xf32, #tpu.memory_space<vmem>> -> memref<8x128xf32, #tpu.memory_space<vmem>>
        tpu.wait_dma2 semaphore(%run_scoped3A : memref<!tpu.dma_semaphore, #tpu.memory_space<semaphore_mem>>) src(%dma_wait3A_72 : memref<8x128xf32, #tpu.memory_space<vmem>>) dst(%dma_wait3A_69 : memref<8x128xf32, #tpu.memory_space<vmem_shared>>)
        tpu.yield
      }) : () -> ()
    } else {
    }
    %barrier3A = arith.constant 0 : index
    tpu.barrier barrier_id(%barrier3A)
    %scan3A_45 = arith.constant 0 : i32
    %scan3A_46 = arith.constant 0 : i32
    %scan3A_47 = arith.constant 16 : i32
    %scan3A_48 = arith.addi %scan3A_46, %scan3A_47 : i32
    %scan3A_49 = arith.constant 1 : i32
    scf.for %scan3A_51 = %scan3A_46 to %scan3A_48 step %scan3A_49  : i32 {
      %mul3A_52 = arith.constant 16 : i32
      %mul3A_53 = arith.muli %arg0, %mul3A_52 : i32
      %add3A_54 = arith.addi %mul3A_53, %scan3A_51 : i32
      %mul3A_55 = arith.constant 512 : i32
      %mul3A_56 = arith.muli %add3A_54, %mul3A_55 : i32
      %get3A = arith.index_cast %add3A_54 : i32 to index
      %get3A_57 = tpu.vector_load %arg19[%get3A] {strides = array<i32>} : memref<48xi32, #tpu.memory_space<vmem>>, vector<16xi32>,
      %get3A_58 = vector.shape_cast %get3A_57 : vector<16xi32> to vector<16xi32>
      %slice3A = vector.extract_strided_slice %get3A_58 {offsets = [0], sizes = [1], strides = [1]} : vector<16xi32> to vector<1xi32>
      %squeeze3A = vector.extract %slice3A[0] : i32 from vector<1xi32>
      %slice3A_59 = vector.extract_strided_slice %get3A_58 {offsets = [1], sizes = [1], strides = [1]} : vector<16xi32> to vector<1xi32>
      %squeeze3A_60 = vector.extract %slice3A_59[0] : i32 from vector<1xi32>
      %jit3A = arith.constant 8 : i32
      %div3A = arith.divsi %squeeze3A, %jit3A : i32
      %sign3A = arith.constant 0 : i32
      %sign3A_61 = arith.cmpi sgt, %squeeze3A, %sign3A : i32
      %sign3A_62 = arith.extui %sign3A_61 : i1 to i32
      %sign3A_63 = arith.constant 0 : i32
      %sign3A_64 = arith.cmpi slt, %squeeze3A, %sign3A_63 : i32
      %sign3A_65 = arith.extui %sign3A_64 : i1 to i32
      %sign3A_66 = arith.subi %sign3A_62, %sign3A_65 : i32
      %sign3A_67 = arith.constant 0 : i32
      %sign3A_68 = arith.cmpi sgt, %jit3A, %sign3A_67 : i32
      %sign3A_69 = arith.extui %sign3A_68 : i1 to i32
      %sign3A_70 = arith.constant 0 : i32
      %sign3A_71 = arith.cmpi slt, %jit3A, %sign3A_70 : i32
      %sign3A_72 = arith.extui %sign3A_71 : i1 to i32
      %sign3A_73 = arith.subi %sign3A_69, %sign3A_72 : i32
      %ne3A = arith.cmpi ne, %sign3A_66, %sign3A_73 : i32
      %rem3A = arith.remsi %squeeze3A, %jit3A : i32
      %ne3A_74 = arith.constant 0 : i32
      %ne3A_75 = arith.cmpi ne, %rem3A, %ne3A_74 : i32
      %and3A = arith.andi %ne3A, %ne3A_75 : i1
      %sub3A = arith.constant 1 : i32
      %sub3A_76 = arith.subi %div3A, %sub3A : i32
      %select_n3A = arith.select %and3A, %sub3A_76, %div3A : i32
      %mul3A_77 = arith.constant 8 : i32
      %mul3A_78 = arith.muli %select_n3A, %mul3A_77 : i32
      %sub3A_79 = arith.subi %squeeze3A_60, %mul3A_78 : i32
      %add3A_80 = arith.constant 2048 : i32
      %add3A_81 = arith.addi %sub3A_79, %add3A_80 : i32
      %sub3A_82 = arith.constant 1 : i32
      %sub3A_83 = arith.subi %add3A_81, %sub3A_82 : i32
      %jit3A_84 = arith.constant 2048 : i32
      %div3A_85 = arith.divsi %sub3A_83, %jit3A_84 : i32
      %sign3A_86 = arith.constant 0 : i32
      %sign3A_87 = arith.cmpi sgt, %sub3A_83, %sign3A_86 : i32
      %sign3A_88 = arith.extui %sign3A_87 : i1 to i32
      %sign3A_89 = arith.constant 0 : i32
      %sign3A_90 = arith.cmpi slt, %sub3A_83, %sign3A_89 : i32
      %sign3A_91 = arith.extui %sign3A_90 : i1 to i32
      %sign3A_92 = arith.subi %sign3A_88, %sign3A_91 : i32
      %sign3A_93 = arith.constant 0 : i32
      %sign3A_94 = arith.cmpi sgt, %jit3A_84, %sign3A_93 : i32
      %sign3A_95 = arith.extui %sign3A_94 : i1 to i32
      %sign3A_96 = arith.constant 0 : i32
      %sign3A_97 = arith.cmpi slt, %jit3A_84, %sign3A_96 : i32
      %sign3A_98 = arith.extui %sign3A_97 : i1 to i32
      %sign3A_99 = arith.subi %sign3A_95, %sign3A_98 : i32
      %ne3A_100 = arith.cmpi ne, %sign3A_92, %sign3A_99 : i32
      %rem3A_101 = arith.remsi %sub3A_83, %jit3A_84 : i32
      %ne3A_102 = arith.constant 0 : i32
      %ne3A_103 = arith.cmpi ne, %rem3A_101, %ne3A_102 : i32
      %and3A_104 = arith.andi %ne3A_100, %ne3A_103 : i1
      %sub3A_105 = arith.constant 1 : i32
      %sub3A_106 = arith.subi %div3A_85, %sub3A_105 : i32
      %select_n3A_107 = arith.select %and3A_104, %sub3A_106, %div3A_85 : i32
      %while3A = arith.constant 0 : i32
      %while3A_108 = arith.constant 0 : i32
      %while3A_109 = arith.subi %select_n3A_107, %while3A_108 : i32
      %while3A_110 = arith.addi %while3A_108, %while3A_109 : i32
      %while3A_111 = arith.constant 1 : i32
      %while3A_112 = arith.divsi %while3A_109, %while3A_111 : i32
      %while3A_113 = arith.muli %while3A_112, %while3A_111 : i32
      %while3A_114 = arith.addi %while3A_108, %while3A_113 : i32
      %while3A_115 = arith.constant 1 : i32
      scf.for %while3A_168 = %while3A_108 to %while3A_114 step %while3A_115  : i32 {
        %mul3A_169 = arith.constant 2048 : i32
        %mul3A_170 = arith.muli %while3A_168, %mul3A_169 : i32
        %add3A_171 = arith.addi %mul3A_78, %mul3A_170 : i32
        %dma_start3A = tpu.memref_slice %arg4[%add3A_171] : memref<34816xi32, #tpu.memory_space<hbm>> -> memref<2048xi32, #tpu.memory_space<hbm>>
        %dma_start3A_172 = tpu.memref_slice %arg4[%add3A_171] : memref<34816xi32, #tpu.memory_space<hbm>> -> memref<2048xi32, #tpu.memory_space<hbm>>
        tpu.enqueue_dma source(%dma_start3A_172 : memref<2048xi32, #tpu.memory_space<hbm>>) target(%arg9 : memref<2048xi32, #tpu.memory_space<vmem>>) target_semaphore(%arg23 : memref<!tpu.dma_semaphore, #tpu.memory_space<semaphore_mem>>)
        %dma_start3A_173 = tpu.memref_slice %arg5[%add3A_171] : memref<34816xi32, #tpu.memory_space<hbm>> -> memref<2048xi32, #tpu.memory_space<hbm>>
        %dma_start3A_174 = tpu.memref_slice %arg5[%add3A_171] : memref<34816xi32, #tpu.memory_space<hbm>> -> memref<2048xi32, #tpu.memory_space<hbm>>
        tpu.enqueue_dma source(%dma_start3A_174 : memref<2048xi32, #tpu.memory_space<hbm>>) target(%arg10 : memref<2048xi32, #tpu.memory_space<vmem>>) target_semaphore(%arg25 : memref<!tpu.dma_semaphore, #tpu.memory_space<semaphore_mem>>)
        %dma_wait3A = tpu.memref_slice %arg4[%add3A_171] : memref<34816xi32, #tpu.memory_space<hbm>> -> memref<2048xi32, #tpu.memory_space<hbm>>
        %dma_wait3A_175 = tpu.memref_slice %arg4[%add3A_171] : memref<34816xi32, #tpu.memory_space<hbm>> -> memref<2048xi32, #tpu.memory_space<hbm>>
        tpu.wait_dma2 semaphore(%arg23 : memref<!tpu.dma_semaphore, #tpu.memory_space<semaphore_mem>>) src(%dma_wait3A_175 : memref<2048xi32, #tpu.memory_space<hbm>>) dst(%arg9 : memref<2048xi32, #tpu.memory_space<vmem>>)
        %dma_wait3A_176 = tpu.memref_slice %arg5[%add3A_171] : memref<34816xi32, #tpu.memory_space<hbm>> -> memref<2048xi32, #tpu.memory_space<hbm>>
        %dma_wait3A_177 = tpu.memref_slice %arg5[%add3A_171] : memref<34816xi32, #tpu.memory_space<hbm>> -> memref<2048xi32, #tpu.memory_space<hbm>>
        tpu.wait_dma2 semaphore(%arg25 : memref<!tpu.dma_semaphore, #tpu.memory_space<semaphore_mem>>) src(%dma_wait3A_177 : memref<2048xi32, #tpu.memory_space<hbm>>) dst(%arg10 : memref<2048xi32, #tpu.memory_space<vmem>>)
        %sub3A_178 = arith.subi %squeeze3A_60, %add3A_171 : i32
        %min3A = arith.constant 2048 : i32
        %min3A_179 = arith.minsi %min3A, %sub3A_178 : i32
        %add3A_180 = arith.constant 16 : i32
        %add3A_181 = arith.addi %min3A_179, %add3A_180 : i32
        %sub3A_182 = arith.constant 1 : i32
        %sub3A_183 = arith.subi %add3A_181, %sub3A_182 : i32
        %jit3A_184 = arith.constant 16 : i32
        %div3A_185 = arith.divsi %sub3A_183, %jit3A_184 : i32
        %sign3A_186 = arith.constant 0 : i32
        %sign3A_187 = arith.cmpi sgt, %sub3A_183, %sign3A_186 : i32
        %sign3A_188 = arith.extui %sign3A_187 : i1 to i32
        %sign3A_189 = arith.constant 0 : i32
        %sign3A_190 = arith.cmpi slt, %sub3A_183, %sign3A_189 : i32
        %sign3A_191 = arith.extui %sign3A_190 : i1 to i32
        %sign3A_192 = arith.subi %sign3A_188, %sign3A_191 : i32
        %sign3A_193 = arith.constant 0 : i32
        %sign3A_194 = arith.cmpi sgt, %jit3A_184, %sign3A_193 : i32
        %sign3A_195 = arith.extui %sign3A_194 : i1 to i32
        %sign3A_196 = arith.constant 0 : i32
        %sign3A_197 = arith.cmpi slt, %jit3A_184, %sign3A_196 : i32
        %sign3A_198 = arith.extui %sign3A_197 : i1 to i32
        %sign3A_199 = arith.subi %sign3A_195, %sign3A_198 : i32
        %ne3A_200 = arith.cmpi ne, %sign3A_192, %sign3A_199 : i32
        %rem3A_201 = arith.remsi %sub3A_183, %jit3A_184 : i32
        %ne3A_202 = arith.constant 0 : i32
        %ne3A_203 = arith.cmpi ne, %rem3A_201, %ne3A_202 : i32
        %and3A_204 = arith.andi %ne3A_200, %ne3A_203 : i1
        %sub3A_205 = arith.constant 1 : i32
        %sub3A_206 = arith.subi %div3A_185, %sub3A_205 : i32
        %select_n3A_207 = arith.select %and3A_204, %sub3A_206, %div3A_185 : i32
        %sub3A_208 = arith.subi %select_n3A_207, %arg1 : i32
        %add3A_209 = arith.constant 16 : i32
        %add3A_210 = arith.addi %sub3A_208, %add3A_209 : i32
        %sub3A_211 = arith.constant 1 : i32
        %sub3A_212 = arith.subi %add3A_210, %sub3A_211 : i32
        %jit3A_213 = arith.constant 16 : i32
        %div3A_214 = arith.divsi %sub3A_212, %jit3A_213 : i32
        %sign3A_215 = arith.constant 0 : i32
        %sign3A_216 = arith.cmpi sgt, %sub3A_212, %sign3A_215 : i32
        %sign3A_217 = arith.extui %sign3A_216 : i1 to i32
        %sign3A_218 = arith.constant 0 : i32
        %sign3A_219 = arith.cmpi slt, %sub3A_212, %sign3A_218 : i32
        %sign3A_220 = arith.extui %sign3A_219 : i1 to i32
        %sign3A_221 = arith.subi %sign3A_217, %sign3A_220 : i32
        %sign3A_222 = arith.constant 0 : i32
        %sign3A_223 = arith.cmpi sgt, %jit3A_213, %sign3A_222 : i32
        %sign3A_224 = arith.extui %sign3A_223 : i1 to i32
        %sign3A_225 = arith.constant 0 : i32
        %sign3A_226 = arith.cmpi slt, %jit3A_213, %sign3A_225 : i32
        %sign3A_227 = arith.extui %sign3A_226 : i1 to i32
        %sign3A_228 = arith.subi %sign3A_224, %sign3A_227 : i32
        %ne3A_229 = arith.cmpi ne, %sign3A_221, %sign3A_228 : i32
        %rem3A_230 = arith.remsi %sub3A_212, %jit3A_213 : i32
        %ne3A_231 = arith.constant 0 : i32
        %ne3A_232 = arith.cmpi ne, %rem3A_230, %ne3A_231 : i32
        %and3A_233 = arith.andi %ne3A_229, %ne3A_232 : i1
        %sub3A_234 = arith.constant 1 : i32
        %sub3A_235 = arith.subi %div3A_214, %sub3A_234 : i32
        %select_n3A_236 = arith.select %and3A_233, %sub3A_235, %div3A_214 : i32
        %while3A_237 = arith.constant 0 : i32
        %while3A_238 = arith.constant 0 : i32
        %while3A_239 = arith.subi %select_n3A_236, %while3A_238 : i32
        %while3A_240 = arith.addi %while3A_238, %while3A_239 : i32
        %while3A_241 = arith.constant 1 : i32
        %while3A_242 = arith.divsi %while3A_239, %while3A_241 : i32
        %while3A_243 = arith.muli %while3A_242, %while3A_241 : i32
        %while3A_244 = arith.addi %while3A_238, %while3A_243 : i32
        %while3A_245 = arith.constant 1 : i32
        scf.for %while3A_247 = %while3A_238 to %while3A_244 step %while3A_245  : i32 {
          %mul3A_248 = arith.constant 16 : i32
          %mul3A_249 = arith.muli %while3A_247, %mul3A_248 : i32
          %add3A_250 = arith.addi %arg1, %mul3A_249 : i32
          %mul3A_251 = arith.constant 16 : i32
          %mul3A_252 = arith.muli %add3A_250, %mul3A_251 : i32
          %get3A_253 = arith.index_cast %mul3A_252 : i32 to index
          %get3A_254 = tpu.vector_load %arg9[%get3A_253] {strides = array<i32>} : memref<2048xi32, #tpu.memory_space<vmem>>, vector<16xi32>,
          %get3A_255 = vector.shape_cast %get3A_254 : vector<16xi32> to vector<16xi32>
          %mul3A_256 = arith.constant 16 : i32
          %mul3A_257 = arith.muli %add3A_250, %mul3A_256 : i32
          %get3A_258 = arith.index_cast %mul3A_257 : i32 to index
          %get3A_259 = tpu.vector_load %arg10[%get3A_258] {strides = array<i32>} : memref<2048xi32, #tpu.memory_space<vmem>>, vector<16xi32>,
          %get3A_260 = vector.shape_cast %get3A_259 : vector<16xi32> to vector<16xi32>
          %sub3A_261 = vector.broadcast %mul3A_56 : i32 to vector<16xi32>
          %sub3A_262 = arith.subi %get3A_260, %sub3A_261 : vector<16xi32>
          %ge3A = arith.constant 0 : i32
          %ge3A_263 = vector.broadcast %ge3A : i32 to vector<16xi32>
          %ge3A_264 = arith.cmpi sge, %sub3A_262, %ge3A_263 : vector<16xi32>
          %lt3A = arith.constant 512 : i32
          %lt3A_265 = vector.broadcast %lt3A : i32 to vector<16xi32>
          %lt3A_266 = arith.cmpi slt, %sub3A_262, %lt3A_265 : vector<16xi32>
          %and3A_267 = arith.andi %ge3A_264, %lt3A_266 : vector<16xi1>
          %swap3A = arith.constant 0 : i32
          %swap3A_268 = arith.index_cast %swap3A : i32 to index
          %swap3A_269 = arith.constant 0 : index
          %swap3A_270 = tpu.vector_load %arg11[%swap3A_268, %swap3A_269] {strides = array<i32>} : memref<2x16xi32, #tpu.memory_space<vmem>>, vector<1x16xi32>,
          %swap3A_271 = vector.shape_cast %swap3A_270 : vector<1x16xi32> to vector<16xi32>
          %swap3A_272 = vector.shape_cast %get3A_255 : vector<16xi32> to vector<1x16xi32>
          tpu.vector_store %arg11[%swap3A_268, %swap3A_269], %swap3A_272 {strides = array<i32>} : memref<2x16xi32, #tpu.memory_space<vmem>>, vector<1x16xi32>,
          %jit3A_273 = arith.constant 512 : i32
          %broadcast_in_dim3A = vector.broadcast %jit3A_273 : i32 to vector<16xi32>
          %select_n3A_274 = arith.select %and3A_267, %sub3A_262, %broadcast_in_dim3A : vector<16xi1>, vector<16xi32>
          %swap3A_275 = arith.constant 0 : i32
          %swap3A_276 = arith.index_cast %swap3A_275 : i32 to index
          %swap3A_277 = arith.constant 0 : index
          %swap3A_278 = tpu.vector_load %arg12[%swap3A_276, %swap3A_277] {strides = array<i32>} : memref<2x16xi32, #tpu.memory_space<vmem>>, vector<1x16xi32>,
          %swap3A_279 = vector.shape_cast %swap3A_278 : vector<1x16xi32> to vector<16xi32>
          %swap3A_280 = vector.shape_cast %select_n3A_274 : vector<16xi32> to vector<1x16xi32>
          tpu.vector_store %arg12[%swap3A_276, %swap3A_277], %swap3A_280 {strides = array<i32>} : memref<2x16xi32, #tpu.memory_space<vmem>>, vector<1x16xi32>,
          %dma_start3A_281 = arith.constant 0 : i32
          %dma_start3A_282 = arith.constant 0 : i32
          %dma_start3A_283 = tpu.memref_slice %arg11[%dma_start3A_281, %dma_start3A_282] : memref<2x16xi32, #tpu.memory_space<vmem>> -> memref<1x16xi32, #tpu.memory_space<vmem>>
          %dma_start3A_284 = tpu.memref_squeeze %dma_start3A_283 : memref<1x16xi32, #tpu.memory_space<vmem>> -> memref<16xi32, #tpu.memory_space<vmem>>
          %dma_start3A_285 = arith.constant 0 : i32
          %dma_start3A_286 = arith.constant 0 : i32
          %dma_start3A_287 = arith.constant 0 : i32
          %dma_start3A_288 = tpu.memref_slice %arg2[%dma_start3A_285, %dma_start3A_286, %dma_start3A_287] : memref<20000x16x128xf32, #tpu.memory_space<hbm>> -> memref<20000x16x128xf32, #tpu.memory_space<hbm>>
          tpu.enqueue_indirect_dma source(%dma_start3A_288 : memref<20000x16x128xf32, #tpu.memory_space<hbm>>) target(%arg13 : memref<16x16x128xf32, #tpu.memory_space<vmem>>) offsets(%dma_start3A_284 : memref<16xi32, #tpu.memory_space<vmem>>) semaphore(%arg22 : memref<!tpu.dma_semaphore, #tpu.memory_space<semaphore_mem>>)
          %dma_start3A_289 = arith.constant 0 : i32
          %dma_start3A_290 = arith.constant 0 : i32
          %dma_start3A_291 = tpu.memref_slice %arg11[%dma_start3A_289, %dma_start3A_290] : memref<2x16xi32, #tpu.memory_space<vmem>> -> memref<1x16xi32, #tpu.memory_space<vmem>>
          %dma_start3A_292 = tpu.memref_squeeze %dma_start3A_291 : memref<1x16xi32, #tpu.memory_space<vmem>> -> memref<16xi32, #tpu.memory_space<vmem>>
          %dma_start3A_293 = arith.constant 0 : i32
          %dma_start3A_294 = arith.constant 0 : i32
          %dma_start3A_295 = tpu.memref_slice %arg3[%dma_start3A_293, %dma_start3A_294] : memref<20000x128xf32, #tpu.memory_space<hbm>> -> memref<20000x128xf32, #tpu.memory_space<hbm>>
          tpu.enqueue_indirect_dma source(%dma_start3A_295 : memref<20000x128xf32, #tpu.memory_space<hbm>>) target(%arg15 : memref<16x128xf32, #tpu.memory_space<vmem>>) offsets(%dma_start3A_292 : memref<16xi32, #tpu.memory_space<vmem>>) semaphore(%arg24 : memref<!tpu.dma_semaphore, #tpu.memory_space<semaphore_mem>>)
          %dma_wait3A_296 = arith.constant 0 : i32
          %dma_wait3A_297 = arith.constant 0 : i32
          %dma_wait3A_298 = tpu.memref_slice %arg11[%dma_wait3A_296, %dma_wait3A_297] : memref<2x16xi32, #tpu.memory_space<vmem>> -> memref<1x16xi32, #tpu.memory_space<vmem>>
          %dma_wait3A_299 = tpu.memref_squeeze %dma_wait3A_298 : memref<1x16xi32, #tpu.memory_space<vmem>> -> memref<16xi32, #tpu.memory_space<vmem>>
          %dma_wait3A_300 = arith.constant 0 : i32
          %dma_wait3A_301 = arith.constant 0 : i32
          %dma_wait3A_302 = arith.constant 0 : i32
          %dma_wait3A_303 = tpu.memref_slice %arg2[%dma_wait3A_300, %dma_wait3A_301, %dma_wait3A_302] : memref<20000x16x128xf32, #tpu.memory_space<hbm>> -> memref<20000x16x128xf32, #tpu.memory_space<hbm>>
          tpu.wait_indirect_dma semaphore(%arg22 : memref<!tpu.dma_semaphore, #tpu.memory_space<semaphore_mem>>) src(%dma_wait3A_303 : memref<20000x16x128xf32, #tpu.memory_space<hbm>>) dst(%arg13 : memref<16x16x128xf32, #tpu.memory_space<vmem>>)
          %run_scoped3A = arith.constant 0 : i32
          "tpu.region"() ({
            %run_scoped3A_312 = tpu.sem_alloc : memref<!tpu.dma_semaphore, #tpu.memory_space<semaphore_mem>>
            %dma_start3A_313 = arith.constant 0 : i32
            %dma_start3A_314 = tpu.memref_slice %arg12[%run_scoped3A, %dma_start3A_313] : memref<2x16xi32, #tpu.memory_space<vmem>> -> memref<1x16xi32, #tpu.memory_space<vmem>>
            %dma_start3A_315 = tpu.memref_squeeze %dma_start3A_314 : memref<1x16xi32, #tpu.memory_space<vmem>> -> memref<16xi32, #tpu.memory_space<vmem>>
            %dma_start3A_316 = arith.constant 0 : i32
            %dma_start3A_317 = arith.constant 0 : i32
            %dma_start3A_318 = arith.constant 0 : i32
            %dma_start3A_319 = tpu.memref_slice %arg20[%dma_start3A_316, %dma_start3A_317, %dma_start3A_318] : memref<520x16x128xf32, #tpu.memory_space<vmem_shared>> -> memref<520x16x128xf32, #tpu.memory_space<vmem_shared>>
            tpu.enqueue_indirect_dma source(%arg13 : memref<16x16x128xf32, #tpu.memory_space<vmem>>) target(%dma_start3A_319 : memref<520x16x128xf32, #tpu.memory_space<vmem_shared>>) offsets(%dma_start3A_315 : memref<16xi32, #tpu.memory_space<vmem>>) semaphore(%run_scoped3A_312 : memref<!tpu.dma_semaphore, #tpu.memory_space<semaphore_mem>>) {add = true}
            %dma_wait3A_320 = arith.constant 0 : i32
            %dma_wait3A_321 = tpu.memref_slice %arg12[%run_scoped3A, %dma_wait3A_320] : memref<2x16xi32, #tpu.memory_space<vmem>> -> memref<1x16xi32, #tpu.memory_space<vmem>>
            %dma_wait3A_322 = tpu.memref_squeeze %dma_wait3A_321 : memref<1x16xi32, #tpu.memory_space<vmem>> -> memref<16xi32, #tpu.memory_space<vmem>>
            %dma_wait3A_323 = arith.constant 0 : i32
            %dma_wait3A_324 = arith.constant 0 : i32
            %dma_wait3A_325 = arith.constant 0 : i32
            %dma_wait3A_326 = tpu.memref_slice %arg20[%dma_wait3A_323, %dma_wait3A_324, %dma_wait3A_325] : memref<520x16x128xf32, #tpu.memory_space<vmem_shared>> -> memref<520x16x128xf32, #tpu.memory_space<vmem_shared>>
            tpu.wait_indirect_dma semaphore(%run_scoped3A_312 : memref<!tpu.dma_semaphore, #tpu.memory_space<semaphore_mem>>) src(%arg13 : memref<16x16x128xf32, #tpu.memory_space<vmem>>) dst(%dma_wait3A_326 : memref<520x16x128xf32, #tpu.memory_space<vmem_shared>>)
            tpu.yield
          }) : () -> ()
          %dma_wait3A_304 = arith.constant 0 : i32
          %dma_wait3A_305 = arith.constant 0 : i32
          %dma_wait3A_306 = tpu.memref_slice %arg11[%dma_wait3A_304, %dma_wait3A_305] : memref<2x16xi32, #tpu.memory_space<vmem>> -> memref<1x16xi32, #tpu.memory_space<vmem>>
          %dma_wait3A_307 = tpu.memref_squeeze %dma_wait3A_306 : memref<1x16xi32, #tpu.memory_space<vmem>> -> memref<16xi32, #tpu.memory_space<vmem>>
          %dma_wait3A_308 = arith.constant 0 : i32
          %dma_wait3A_309 = arith.constant 0 : i32
          %dma_wait3A_310 = tpu.memref_slice %arg3[%dma_wait3A_308, %dma_wait3A_309] : memref<20000x128xf32, #tpu.memory_space<hbm>> -> memref<20000x128xf32, #tpu.memory_space<hbm>>
          tpu.wait_indirect_dma semaphore(%arg24 : memref<!tpu.dma_semaphore, #tpu.memory_space<semaphore_mem>>) src(%dma_wait3A_310 : memref<20000x128xf32, #tpu.memory_space<hbm>>) dst(%arg15 : memref<16x128xf32, #tpu.memory_space<vmem>>)
          %run_scoped3A_311 = arith.constant 0 : i32
          "tpu.region"() ({
            %run_scoped3A_312 = tpu.sem_alloc : memref<!tpu.dma_semaphore, #tpu.memory_space<semaphore_mem>>
            %dma_start3A_313 = arith.constant 0 : i32
            %dma_start3A_314 = tpu.memref_slice %arg12[%run_scoped3A_311, %dma_start3A_313] : memref<2x16xi32, #tpu.memory_space<vmem>> -> memref<1x16xi32, #tpu.memory_space<vmem>>
            %dma_start3A_315 = tpu.memref_squeeze %dma_start3A_314 : memref<1x16xi32, #tpu.memory_space<vmem>> -> memref<16xi32, #tpu.memory_space<vmem>>
            %dma_start3A_316 = arith.constant 0 : i32
            %dma_start3A_317 = arith.constant 0 : i32
            %dma_start3A_318 = tpu.memref_slice %arg21[%dma_start3A_316, %dma_start3A_317] : memref<520x128xf32, #tpu.memory_space<vmem_shared>> -> memref<520x128xf32, #tpu.memory_space<vmem_shared>>
            tpu.enqueue_indirect_dma source(%arg15 : memref<16x128xf32, #tpu.memory_space<vmem>>) target(%dma_start3A_318 : memref<520x128xf32, #tpu.memory_space<vmem_shared>>) offsets(%dma_start3A_315 : memref<16xi32, #tpu.memory_space<vmem>>) semaphore(%run_scoped3A_312 : memref<!tpu.dma_semaphore, #tpu.memory_space<semaphore_mem>>) {add = true}
            %dma_wait3A_319 = arith.constant 0 : i32
            %dma_wait3A_320 = tpu.memref_slice %arg12[%run_scoped3A_311, %dma_wait3A_319] : memref<2x16xi32, #tpu.memory_space<vmem>> -> memref<1x16xi32, #tpu.memory_space<vmem>>
            %dma_wait3A_321 = tpu.memref_squeeze %dma_wait3A_320 : memref<1x16xi32, #tpu.memory_space<vmem>> -> memref<16xi32, #tpu.memory_space<vmem>>
            %dma_wait3A_322 = arith.constant 0 : i32
            %dma_wait3A_323 = arith.constant 0 : i32
            %dma_wait3A_324 = tpu.memref_slice %arg21[%dma_wait3A_322, %dma_wait3A_323] : memref<520x128xf32, #tpu.memory_space<vmem_shared>> -> memref<520x128xf32, #tpu.memory_space<vmem_shared>>
            tpu.wait_indirect_dma semaphore(%run_scoped3A_312 : memref<!tpu.dma_semaphore, #tpu.memory_space<semaphore_mem>>) src(%arg15 : memref<16x128xf32, #tpu.memory_space<vmem>>) dst(%dma_wait3A_324 : memref<520x128xf32, #tpu.memory_space<vmem_shared>>)
            tpu.yield
          }) : () -> ()
        }
        %while3A_246 = arith.constant 1 : i32
        scf.for %while3A_247 = %while3A_244 to %while3A_240 step %while3A_246  : i32 {
          %mul3A_248 = arith.constant 16 : i32
          %mul3A_249 = arith.muli %while3A_247, %mul3A_248 : i32
          %add3A_250 = arith.addi %arg1, %mul3A_249 : i32
          %mul3A_251 = arith.constant 16 : i32
          %mul3A_252 = arith.muli %add3A_250, %mul3A_251 : i32
          %get3A_253 = arith.index_cast %mul3A_252 : i32 to index
          %get3A_254 = tpu.vector_load %arg9[%get3A_253] {strides = array<i32>} : memref<2048xi32, #tpu.memory_space<vmem>>, vector<16xi32>,
          %get3A_255 = vector.shape_cast %get3A_254 : vector<16xi32> to vector<16xi32>
          %mul3A_256 = arith.constant 16 : i32
          %mul3A_257 = arith.muli %add3A_250, %mul3A_256 : i32
          %get3A_258 = arith.index_cast %mul3A_257 : i32 to index
          %get3A_259 = tpu.vector_load %arg10[%get3A_258] {strides = array<i32>} : memref<2048xi32, #tpu.memory_space<vmem>>, vector<16xi32>,
          %get3A_260 = vector.shape_cast %get3A_259 : vector<16xi32> to vector<16xi32>
          %sub3A_261 = vector.broadcast %mul3A_56 : i32 to vector<16xi32>
          %sub3A_262 = arith.subi %get3A_260, %sub3A_261 : vector<16xi32>
          %ge3A = arith.constant 0 : i32
          %ge3A_263 = vector.broadcast %ge3A : i32 to vector<16xi32>
          %ge3A_264 = arith.cmpi sge, %sub3A_262, %ge3A_263 : vector<16xi32>
          %lt3A = arith.constant 512 : i32
          %lt3A_265 = vector.broadcast %lt3A : i32 to vector<16xi32>
          %lt3A_266 = arith.cmpi slt, %sub3A_262, %lt3A_265 : vector<16xi32>
          %and3A_267 = arith.andi %ge3A_264, %lt3A_266 : vector<16xi1>
          %swap3A = arith.constant 0 : i32
          %swap3A_268 = arith.index_cast %swap3A : i32 to index
          %swap3A_269 = arith.constant 0 : index
          %swap3A_270 = tpu.vector_load %arg11[%swap3A_268, %swap3A_269] {strides = array<i32>} : memref<2x16xi32, #tpu.memory_space<vmem>>, vector<1x16xi32>,
          %swap3A_271 = vector.shape_cast %swap3A_270 : vector<1x16xi32> to vector<16xi32>
          %swap3A_272 = vector.shape_cast %get3A_255 : vector<16xi32> to vector<1x16xi32>
          tpu.vector_store %arg11[%swap3A_268, %swap3A_269], %swap3A_272 {strides = array<i32>} : memref<2x16xi32, #tpu.memory_space<vmem>>, vector<1x16xi32>,
          %jit3A_273 = arith.constant 512 : i32
          %broadcast_in_dim3A = vector.broadcast %jit3A_273 : i32 to vector<16xi32>
          %select_n3A_274 = arith.select %and3A_267, %sub3A_262, %broadcast_in_dim3A : vector<16xi1>, vector<16xi32>
          %swap3A_275 = arith.constant 0 : i32
          %swap3A_276 = arith.index_cast %swap3A_275 : i32 to index
          %swap3A_277 = arith.constant 0 : index
          %swap3A_278 = tpu.vector_load %arg12[%swap3A_276, %swap3A_277] {strides = array<i32>} : memref<2x16xi32, #tpu.memory_space<vmem>>, vector<1x16xi32>,
          %swap3A_279 = vector.shape_cast %swap3A_278 : vector<1x16xi32> to vector<16xi32>
          %swap3A_280 = vector.shape_cast %select_n3A_274 : vector<16xi32> to vector<1x16xi32>
          tpu.vector_store %arg12[%swap3A_276, %swap3A_277], %swap3A_280 {strides = array<i32>} : memref<2x16xi32, #tpu.memory_space<vmem>>, vector<1x16xi32>,
          %dma_start3A_281 = arith.constant 0 : i32
          %dma_start3A_282 = arith.constant 0 : i32
          %dma_start3A_283 = tpu.memref_slice %arg11[%dma_start3A_281, %dma_start3A_282] : memref<2x16xi32, #tpu.memory_space<vmem>> -> memref<1x16xi32, #tpu.memory_space<vmem>>
          %dma_start3A_284 = tpu.memref_squeeze %dma_start3A_283 : memref<1x16xi32, #tpu.memory_space<vmem>> -> memref<16xi32, #tpu.memory_space<vmem>>
          %dma_start3A_285 = arith.constant 0 : i32
          %dma_start3A_286 = arith.constant 0 : i32
          %dma_start3A_287 = arith.constant 0 : i32
          %dma_start3A_288 = tpu.memref_slice %arg2[%dma_start3A_285, %dma_start3A_286, %dma_start3A_287] : memref<20000x16x128xf32, #tpu.memory_space<hbm>> -> memref<20000x16x128xf32, #tpu.memory_space<hbm>>
          tpu.enqueue_indirect_dma source(%dma_start3A_288 : memref<20000x16x128xf32, #tpu.memory_space<hbm>>) target(%arg13 : memref<16x16x128xf32, #tpu.memory_space<vmem>>) offsets(%dma_start3A_284 : memref<16xi32, #tpu.memory_space<vmem>>) semaphore(%arg22 : memref<!tpu.dma_semaphore, #tpu.memory_space<semaphore_mem>>)
          %dma_start3A_289 = arith.constant 0 : i32
          %dma_start3A_290 = arith.constant 0 : i32
          %dma_start3A_291 = tpu.memref_slice %arg11[%dma_start3A_289, %dma_start3A_290] : memref<2x16xi32, #tpu.memory_space<vmem>> -> memref<1x16xi32, #tpu.memory_space<vmem>>
          %dma_start3A_292 = tpu.memref_squeeze %dma_start3A_291 : memref<1x16xi32, #tpu.memory_space<vmem>> -> memref<16xi32, #tpu.memory_space<vmem>>
          %dma_start3A_293 = arith.constant 0 : i32
          %dma_start3A_294 = arith.constant 0 : i32
          %dma_start3A_295 = tpu.memref_slice %arg3[%dma_start3A_293, %dma_start3A_294] : memref<20000x128xf32, #tpu.memory_space<hbm>> -> memref<20000x128xf32, #tpu.memory_space<hbm>>
          tpu.enqueue_indirect_dma source(%dma_start3A_295 : memref<20000x128xf32, #tpu.memory_space<hbm>>) target(%arg15 : memref<16x128xf32, #tpu.memory_space<vmem>>) offsets(%dma_start3A_292 : memref<16xi32, #tpu.memory_space<vmem>>) semaphore(%arg24 : memref<!tpu.dma_semaphore, #tpu.memory_space<semaphore_mem>>)
          %dma_wait3A_296 = arith.constant 0 : i32
          %dma_wait3A_297 = arith.constant 0 : i32
          %dma_wait3A_298 = tpu.memref_slice %arg11[%dma_wait3A_296, %dma_wait3A_297] : memref<2x16xi32, #tpu.memory_space<vmem>> -> memref<1x16xi32, #tpu.memory_space<vmem>>
          %dma_wait3A_299 = tpu.memref_squeeze %dma_wait3A_298 : memref<1x16xi32, #tpu.memory_space<vmem>> -> memref<16xi32, #tpu.memory_space<vmem>>
          %dma_wait3A_300 = arith.constant 0 : i32
          %dma_wait3A_301 = arith.constant 0 : i32
          %dma_wait3A_302 = arith.constant 0 : i32
          %dma_wait3A_303 = tpu.memref_slice %arg2[%dma_wait3A_300, %dma_wait3A_301, %dma_wait3A_302] : memref<20000x16x128xf32, #tpu.memory_space<hbm>> -> memref<20000x16x128xf32, #tpu.memory_space<hbm>>
          tpu.wait_indirect_dma semaphore(%arg22 : memref<!tpu.dma_semaphore, #tpu.memory_space<semaphore_mem>>) src(%dma_wait3A_303 : memref<20000x16x128xf32, #tpu.memory_space<hbm>>) dst(%arg13 : memref<16x16x128xf32, #tpu.memory_space<vmem>>)
          %run_scoped3A = arith.constant 0 : i32
          "tpu.region"() ({
            %run_scoped3A_312 = tpu.sem_alloc : memref<!tpu.dma_semaphore, #tpu.memory_space<semaphore_mem>>
            %dma_start3A_313 = arith.constant 0 : i32
            %dma_start3A_314 = tpu.memref_slice %arg12[%run_scoped3A, %dma_start3A_313] : memref<2x16xi32, #tpu.memory_space<vmem>> -> memref<1x16xi32, #tpu.memory_space<vmem>>
            %dma_start3A_315 = tpu.memref_squeeze %dma_start3A_314 : memref<1x16xi32, #tpu.memory_space<vmem>> -> memref<16xi32, #tpu.memory_space<vmem>>
            %dma_start3A_316 = arith.constant 0 : i32
            %dma_start3A_317 = arith.constant 0 : i32
            %dma_start3A_318 = arith.constant 0 : i32
            %dma_start3A_319 = tpu.memref_slice %arg20[%dma_start3A_316, %dma_start3A_317, %dma_start3A_318] : memref<520x16x128xf32, #tpu.memory_space<vmem_shared>> -> memref<520x16x128xf32, #tpu.memory_space<vmem_shared>>
            tpu.enqueue_indirect_dma source(%arg13 : memref<16x16x128xf32, #tpu.memory_space<vmem>>) target(%dma_start3A_319 : memref<520x16x128xf32, #tpu.memory_space<vmem_shared>>) offsets(%dma_start3A_315 : memref<16xi32, #tpu.memory_space<vmem>>) semaphore(%run_scoped3A_312 : memref<!tpu.dma_semaphore, #tpu.memory_space<semaphore_mem>>) {add = true}
            %dma_wait3A_320 = arith.constant 0 : i32
            %dma_wait3A_321 = tpu.memref_slice %arg12[%run_scoped3A, %dma_wait3A_320] : memref<2x16xi32, #tpu.memory_space<vmem>> -> memref<1x16xi32, #tpu.memory_space<vmem>>
            %dma_wait3A_322 = tpu.memref_squeeze %dma_wait3A_321 : memref<1x16xi32, #tpu.memory_space<vmem>> -> memref<16xi32, #tpu.memory_space<vmem>>
            %dma_wait3A_323 = arith.constant 0 : i32
            %dma_wait3A_324 = arith.constant 0 : i32
            %dma_wait3A_325 = arith.constant 0 : i32
            %dma_wait3A_326 = tpu.memref_slice %arg20[%dma_wait3A_323, %dma_wait3A_324, %dma_wait3A_325] : memref<520x16x128xf32, #tpu.memory_space<vmem_shared>> -> memref<520x16x128xf32, #tpu.memory_space<vmem_shared>>
            tpu.wait_indirect_dma semaphore(%run_scoped3A_312 : memref<!tpu.dma_semaphore, #tpu.memory_space<semaphore_mem>>) src(%arg13 : memref<16x16x128xf32, #tpu.memory_space<vmem>>) dst(%dma_wait3A_326 : memref<520x16x128xf32, #tpu.memory_space<vmem_shared>>)
            tpu.yield
          }) : () -> ()
          %dma_wait3A_304 = arith.constant 0 : i32
          %dma_wait3A_305 = arith.constant 0 : i32
          %dma_wait3A_306 = tpu.memref_slice %arg11[%dma_wait3A_304, %dma_wait3A_305] : memref<2x16xi32, #tpu.memory_space<vmem>> -> memref<1x16xi32, #tpu.memory_space<vmem>>
          %dma_wait3A_307 = tpu.memref_squeeze %dma_wait3A_306 : memref<1x16xi32, #tpu.memory_space<vmem>> -> memref<16xi32, #tpu.memory_space<vmem>>
          %dma_wait3A_308 = arith.constant 0 : i32
          %dma_wait3A_309 = arith.constant 0 : i32
          %dma_wait3A_310 = tpu.memref_slice %arg3[%dma_wait3A_308, %dma_wait3A_309] : memref<20000x128xf32, #tpu.memory_space<hbm>> -> memref<20000x128xf32, #tpu.memory_space<hbm>>
          tpu.wait_indirect_dma semaphore(%arg24 : memref<!tpu.dma_semaphore, #tpu.memory_space<semaphore_mem>>) src(%dma_wait3A_310 : memref<20000x128xf32, #tpu.memory_space<hbm>>) dst(%arg15 : memref<16x128xf32, #tpu.memory_space<vmem>>)
          %run_scoped3A_311 = arith.constant 0 : i32
          "tpu.region"() ({
            %run_scoped3A_312 = tpu.sem_alloc : memref<!tpu.dma_semaphore, #tpu.memory_space<semaphore_mem>>
            %dma_start3A_313 = arith.constant 0 : i32
            %dma_start3A_314 = tpu.memref_slice %arg12[%run_scoped3A_311, %dma_start3A_313] : memref<2x16xi32, #tpu.memory_space<vmem>> -> memref<1x16xi32, #tpu.memory_space<vmem>>
            %dma_start3A_315 = tpu.memref_squeeze %dma_start3A_314 : memref<1x16xi32, #tpu.memory_space<vmem>> -> memref<16xi32, #tpu.memory_space<vmem>>
            %dma_start3A_316 = arith.constant 0 : i32
            %dma_start3A_317 = arith.constant 0 : i32
            %dma_start3A_318 = tpu.memref_slice %arg21[%dma_start3A_316, %dma_start3A_317] : memref<520x128xf32, #tpu.memory_space<vmem_shared>> -> memref<520x128xf32, #tpu.memory_space<vmem_shared>>
            tpu.enqueue_indirect_dma source(%arg15 : memref<16x128xf32, #tpu.memory_space<vmem>>) target(%dma_start3A_318 : memref<520x128xf32, #tpu.memory_space<vmem_shared>>) offsets(%dma_start3A_315 : memref<16xi32, #tpu.memory_space<vmem>>) semaphore(%run_scoped3A_312 : memref<!tpu.dma_semaphore, #tpu.memory_space<semaphore_mem>>) {add = true}
            %dma_wait3A_319 = arith.constant 0 : i32
            %dma_wait3A_320 = tpu.memref_slice %arg12[%run_scoped3A_311, %dma_wait3A_319] : memref<2x16xi32, #tpu.memory_space<vmem>> -> memref<1x16xi32, #tpu.memory_space<vmem>>
            %dma_wait3A_321 = tpu.memref_squeeze %dma_wait3A_320 : memref<1x16xi32, #tpu.memory_space<vmem>> -> memref<16xi32, #tpu.memory_space<vmem>>
            %dma_wait3A_322 = arith.constant 0 : i32
            %dma_wait3A_323 = arith.constant 0 : i32
            %dma_wait3A_324 = tpu.memref_slice %arg21[%dma_wait3A_322, %dma_wait3A_323] : memref<520x128xf32, #tpu.memory_space<vmem_shared>> -> memref<520x128xf32, #tpu.memory_space<vmem_shared>>
            tpu.wait_indirect_dma semaphore(%run_scoped3A_312 : memref<!tpu.dma_semaphore, #tpu.memory_space<semaphore_mem>>) src(%arg15 : memref<16x128xf32, #tpu.memory_space<vmem>>) dst(%dma_wait3A_324 : memref<520x128xf32, #tpu.memory_space<vmem_shared>>)
            tpu.yield
          }) : () -> ()
        }
      }
      %while3A_116 = arith.constant 1 : i32
      scf.for %while3A_168 = %while3A_114 to %while3A_110 step %while3A_116  : i32 {
        %mul3A_169 = arith.constant 2048 : i32
        %mul3A_170 = arith.muli %while3A_168, %mul3A_169 : i32
        %add3A_171 = arith.addi %mul3A_78, %mul3A_170 : i32
        %dma_start3A = tpu.memref_slice %arg4[%add3A_171] : memref<34816xi32, #tpu.memory_space<hbm>> -> memref<2048xi32, #tpu.memory_space<hbm>>
        %dma_start3A_172 = tpu.memref_slice %arg4[%add3A_171] : memref<34816xi32, #tpu.memory_space<hbm>> -> memref<2048xi32, #tpu.memory_space<hbm>>
        tpu.enqueue_dma source(%dma_start3A_172 : memref<2048xi32, #tpu.memory_space<hbm>>) target(%arg9 : memref<2048xi32, #tpu.memory_space<vmem>>) target_semaphore(%arg23 : memref<!tpu.dma_semaphore, #tpu.memory_space<semaphore_mem>>)
        %dma_start3A_173 = tpu.memref_slice %arg5[%add3A_171] : memref<34816xi32, #tpu.memory_space<hbm>> -> memref<2048xi32, #tpu.memory_space<hbm>>
        %dma_start3A_174 = tpu.memref_slice %arg5[%add3A_171] : memref<34816xi32, #tpu.memory_space<hbm>> -> memref<2048xi32, #tpu.memory_space<hbm>>
        tpu.enqueue_dma source(%dma_start3A_174 : memref<2048xi32, #tpu.memory_space<hbm>>) target(%arg10 : memref<2048xi32, #tpu.memory_space<vmem>>) target_semaphore(%arg25 : memref<!tpu.dma_semaphore, #tpu.memory_space<semaphore_mem>>)
        %dma_wait3A = tpu.memref_slice %arg4[%add3A_171] : memref<34816xi32, #tpu.memory_space<hbm>> -> memref<2048xi32, #tpu.memory_space<hbm>>
        %dma_wait3A_175 = tpu.memref_slice %arg4[%add3A_171] : memref<34816xi32, #tpu.memory_space<hbm>> -> memref<2048xi32, #tpu.memory_space<hbm>>
        tpu.wait_dma2 semaphore(%arg23 : memref<!tpu.dma_semaphore, #tpu.memory_space<semaphore_mem>>) src(%dma_wait3A_175 : memref<2048xi32, #tpu.memory_space<hbm>>) dst(%arg9 : memref<2048xi32, #tpu.memory_space<vmem>>)
        %dma_wait3A_176 = tpu.memref_slice %arg5[%add3A_171] : memref<34816xi32, #tpu.memory_space<hbm>> -> memref<2048xi32, #tpu.memory_space<hbm>>
        %dma_wait3A_177 = tpu.memref_slice %arg5[%add3A_171] : memref<34816xi32, #tpu.memory_space<hbm>> -> memref<2048xi32, #tpu.memory_space<hbm>>
        tpu.wait_dma2 semaphore(%arg25 : memref<!tpu.dma_semaphore, #tpu.memory_space<semaphore_mem>>) src(%dma_wait3A_177 : memref<2048xi32, #tpu.memory_space<hbm>>) dst(%arg10 : memref<2048xi32, #tpu.memory_space<vmem>>)
        %sub3A_178 = arith.subi %squeeze3A_60, %add3A_171 : i32
        %min3A = arith.constant 2048 : i32
        %min3A_179 = arith.minsi %min3A, %sub3A_178 : i32
        %add3A_180 = arith.constant 16 : i32
        %add3A_181 = arith.addi %min3A_179, %add3A_180 : i32
        %sub3A_182 = arith.constant 1 : i32
        %sub3A_183 = arith.subi %add3A_181, %sub3A_182 : i32
        %jit3A_184 = arith.constant 16 : i32
        %div3A_185 = arith.divsi %sub3A_183, %jit3A_184 : i32
        %sign3A_186 = arith.constant 0 : i32
        %sign3A_187 = arith.cmpi sgt, %sub3A_183, %sign3A_186 : i32
        %sign3A_188 = arith.extui %sign3A_187 : i1 to i32
        %sign3A_189 = arith.constant 0 : i32
        %sign3A_190 = arith.cmpi slt, %sub3A_183, %sign3A_189 : i32
        %sign3A_191 = arith.extui %sign3A_190 : i1 to i32
        %sign3A_192 = arith.subi %sign3A_188, %sign3A_191 : i32
        %sign3A_193 = arith.constant 0 : i32
        %sign3A_194 = arith.cmpi sgt, %jit3A_184, %sign3A_193 : i32
        %sign3A_195 = arith.extui %sign3A_194 : i1 to i32
        %sign3A_196 = arith.constant 0 : i32
        %sign3A_197 = arith.cmpi slt, %jit3A_184, %sign3A_196 : i32
        %sign3A_198 = arith.extui %sign3A_197 : i1 to i32
        %sign3A_199 = arith.subi %sign3A_195, %sign3A_198 : i32
        %ne3A_200 = arith.cmpi ne, %sign3A_192, %sign3A_199 : i32
        %rem3A_201 = arith.remsi %sub3A_183, %jit3A_184 : i32
        %ne3A_202 = arith.constant 0 : i32
        %ne3A_203 = arith.cmpi ne, %rem3A_201, %ne3A_202 : i32
        %and3A_204 = arith.andi %ne3A_200, %ne3A_203 : i1
        %sub3A_205 = arith.constant 1 : i32
        %sub3A_206 = arith.subi %div3A_185, %sub3A_205 : i32
        %select_n3A_207 = arith.select %and3A_204, %sub3A_206, %div3A_185 : i32
        %sub3A_208 = arith.subi %select_n3A_207, %arg1 : i32
        %add3A_209 = arith.constant 16 : i32
        %add3A_210 = arith.addi %sub3A_208, %add3A_209 : i32
        %sub3A_211 = arith.constant 1 : i32
        %sub3A_212 = arith.subi %add3A_210, %sub3A_211 : i32
        %jit3A_213 = arith.constant 16 : i32
        %div3A_214 = arith.divsi %sub3A_212, %jit3A_213 : i32
        %sign3A_215 = arith.constant 0 : i32
        %sign3A_216 = arith.cmpi sgt, %sub3A_212, %sign3A_215 : i32
        %sign3A_217 = arith.extui %sign3A_216 : i1 to i32
        %sign3A_218 = arith.constant 0 : i32
        %sign3A_219 = arith.cmpi slt, %sub3A_212, %sign3A_218 : i32
        %sign3A_220 = arith.extui %sign3A_219 : i1 to i32
        %sign3A_221 = arith.subi %sign3A_217, %sign3A_220 : i32
        %sign3A_222 = arith.constant 0 : i32
        %sign3A_223 = arith.cmpi sgt, %jit3A_213, %sign3A_222 : i32
        %sign3A_224 = arith.extui %sign3A_223 : i1 to i32
        %sign3A_225 = arith.constant 0 : i32
        %sign3A_226 = arith.cmpi slt, %jit3A_213, %sign3A_225 : i32
        %sign3A_227 = arith.extui %sign3A_226 : i1 to i32
        %sign3A_228 = arith.subi %sign3A_224, %sign3A_227 : i32
        %ne3A_229 = arith.cmpi ne, %sign3A_221, %sign3A_228 : i32
        %rem3A_230 = arith.remsi %sub3A_212, %jit3A_213 : i32
        %ne3A_231 = arith.constant 0 : i32
        %ne3A_232 = arith.cmpi ne, %rem3A_230, %ne3A_231 : i32
        %and3A_233 = arith.andi %ne3A_229, %ne3A_232 : i1
        %sub3A_234 = arith.constant 1 : i32
        %sub3A_235 = arith.subi %div3A_214, %sub3A_234 : i32
        %select_n3A_236 = arith.select %and3A_233, %sub3A_235, %div3A_214 : i32
        %while3A_237 = arith.constant 0 : i32
        %while3A_238 = arith.constant 0 : i32
        %while3A_239 = arith.subi %select_n3A_236, %while3A_238 : i32
        %while3A_240 = arith.addi %while3A_238, %while3A_239 : i32
        %while3A_241 = arith.constant 1 : i32
        %while3A_242 = arith.divsi %while3A_239, %while3A_241 : i32
        %while3A_243 = arith.muli %while3A_242, %while3A_241 : i32
        %while3A_244 = arith.addi %while3A_238, %while3A_243 : i32
        %while3A_245 = arith.constant 1 : i32
        scf.for %while3A_247 = %while3A_238 to %while3A_244 step %while3A_245  : i32 {
          %mul3A_248 = arith.constant 16 : i32
          %mul3A_249 = arith.muli %while3A_247, %mul3A_248 : i32
          %add3A_250 = arith.addi %arg1, %mul3A_249 : i32
          %mul3A_251 = arith.constant 16 : i32
          %mul3A_252 = arith.muli %add3A_250, %mul3A_251 : i32
          %get3A_253 = arith.index_cast %mul3A_252 : i32 to index
          %get3A_254 = tpu.vector_load %arg9[%get3A_253] {strides = array<i32>} : memref<2048xi32, #tpu.memory_space<vmem>>, vector<16xi32>,
          %get3A_255 = vector.shape_cast %get3A_254 : vector<16xi32> to vector<16xi32>
          %mul3A_256 = arith.constant 16 : i32
          %mul3A_257 = arith.muli %add3A_250, %mul3A_256 : i32
          %get3A_258 = arith.index_cast %mul3A_257 : i32 to index
          %get3A_259 = tpu.vector_load %arg10[%get3A_258] {strides = array<i32>} : memref<2048xi32, #tpu.memory_space<vmem>>, vector<16xi32>,
          %get3A_260 = vector.shape_cast %get3A_259 : vector<16xi32> to vector<16xi32>
          %sub3A_261 = vector.broadcast %mul3A_56 : i32 to vector<16xi32>
          %sub3A_262 = arith.subi %get3A_260, %sub3A_261 : vector<16xi32>
          %ge3A = arith.constant 0 : i32
          %ge3A_263 = vector.broadcast %ge3A : i32 to vector<16xi32>
          %ge3A_264 = arith.cmpi sge, %sub3A_262, %ge3A_263 : vector<16xi32>
          %lt3A = arith.constant 512 : i32
          %lt3A_265 = vector.broadcast %lt3A : i32 to vector<16xi32>
          %lt3A_266 = arith.cmpi slt, %sub3A_262, %lt3A_265 : vector<16xi32>
          %and3A_267 = arith.andi %ge3A_264, %lt3A_266 : vector<16xi1>
          %swap3A = arith.constant 0 : i32
          %swap3A_268 = arith.index_cast %swap3A : i32 to index
          %swap3A_269 = arith.constant 0 : index
          %swap3A_270 = tpu.vector_load %arg11[%swap3A_268, %swap3A_269] {strides = array<i32>} : memref<2x16xi32, #tpu.memory_space<vmem>>, vector<1x16xi32>,
          %swap3A_271 = vector.shape_cast %swap3A_270 : vector<1x16xi32> to vector<16xi32>
          %swap3A_272 = vector.shape_cast %get3A_255 : vector<16xi32> to vector<1x16xi32>
          tpu.vector_store %arg11[%swap3A_268, %swap3A_269], %swap3A_272 {strides = array<i32>} : memref<2x16xi32, #tpu.memory_space<vmem>>, vector<1x16xi32>,
          %jit3A_273 = arith.constant 512 : i32
          %broadcast_in_dim3A = vector.broadcast %jit3A_273 : i32 to vector<16xi32>
          %select_n3A_274 = arith.select %and3A_267, %sub3A_262, %broadcast_in_dim3A : vector<16xi1>, vector<16xi32>
          %swap3A_275 = arith.constant 0 : i32
          %swap3A_276 = arith.index_cast %swap3A_275 : i32 to index
          %swap3A_277 = arith.constant 0 : index
          %swap3A_278 = tpu.vector_load %arg12[%swap3A_276, %swap3A_277] {strides = array<i32>} : memref<2x16xi32, #tpu.memory_space<vmem>>, vector<1x16xi32>,
          %swap3A_279 = vector.shape_cast %swap3A_278 : vector<1x16xi32> to vector<16xi32>
          %swap3A_280 = vector.shape_cast %select_n3A_274 : vector<16xi32> to vector<1x16xi32>
          tpu.vector_store %arg12[%swap3A_276, %swap3A_277], %swap3A_280 {strides = array<i32>} : memref<2x16xi32, #tpu.memory_space<vmem>>, vector<1x16xi32>,
          %dma_start3A_281 = arith.constant 0 : i32
          %dma_start3A_282 = arith.constant 0 : i32
          %dma_start3A_283 = tpu.memref_slice %arg11[%dma_start3A_281, %dma_start3A_282] : memref<2x16xi32, #tpu.memory_space<vmem>> -> memref<1x16xi32, #tpu.memory_space<vmem>>
          %dma_start3A_284 = tpu.memref_squeeze %dma_start3A_283 : memref<1x16xi32, #tpu.memory_space<vmem>> -> memref<16xi32, #tpu.memory_space<vmem>>
          %dma_start3A_285 = arith.constant 0 : i32
          %dma_start3A_286 = arith.constant 0 : i32
          %dma_start3A_287 = arith.constant 0 : i32
          %dma_start3A_288 = tpu.memref_slice %arg2[%dma_start3A_285, %dma_start3A_286, %dma_start3A_287] : memref<20000x16x128xf32, #tpu.memory_space<hbm>> -> memref<20000x16x128xf32, #tpu.memory_space<hbm>>
          tpu.enqueue_indirect_dma source(%dma_start3A_288 : memref<20000x16x128xf32, #tpu.memory_space<hbm>>) target(%arg13 : memref<16x16x128xf32, #tpu.memory_space<vmem>>) offsets(%dma_start3A_284 : memref<16xi32, #tpu.memory_space<vmem>>) semaphore(%arg22 : memref<!tpu.dma_semaphore, #tpu.memory_space<semaphore_mem>>)
          %dma_start3A_289 = arith.constant 0 : i32
          %dma_start3A_290 = arith.constant 0 : i32
          %dma_start3A_291 = tpu.memref_slice %arg11[%dma_start3A_289, %dma_start3A_290] : memref<2x16xi32, #tpu.memory_space<vmem>> -> memref<1x16xi32, #tpu.memory_space<vmem>>
          %dma_start3A_292 = tpu.memref_squeeze %dma_start3A_291 : memref<1x16xi32, #tpu.memory_space<vmem>> -> memref<16xi32, #tpu.memory_space<vmem>>
          %dma_start3A_293 = arith.constant 0 : i32
          %dma_start3A_294 = arith.constant 0 : i32
          %dma_start3A_295 = tpu.memref_slice %arg3[%dma_start3A_293, %dma_start3A_294] : memref<20000x128xf32, #tpu.memory_space<hbm>> -> memref<20000x128xf32, #tpu.memory_space<hbm>>
          tpu.enqueue_indirect_dma source(%dma_start3A_295 : memref<20000x128xf32, #tpu.memory_space<hbm>>) target(%arg15 : memref<16x128xf32, #tpu.memory_space<vmem>>) offsets(%dma_start3A_292 : memref<16xi32, #tpu.memory_space<vmem>>) semaphore(%arg24 : memref<!tpu.dma_semaphore, #tpu.memory_space<semaphore_mem>>)
          %dma_wait3A_296 = arith.constant 0 : i32
          %dma_wait3A_297 = arith.constant 0 : i32
          %dma_wait3A_298 = tpu.memref_slice %arg11[%dma_wait3A_296, %dma_wait3A_297] : memref<2x16xi32, #tpu.memory_space<vmem>> -> memref<1x16xi32, #tpu.memory_space<vmem>>
          %dma_wait3A_299 = tpu.memref_squeeze %dma_wait3A_298 : memref<1x16xi32, #tpu.memory_space<vmem>> -> memref<16xi32, #tpu.memory_space<vmem>>
          %dma_wait3A_300 = arith.constant 0 : i32
          %dma_wait3A_301 = arith.constant 0 : i32
          %dma_wait3A_302 = arith.constant 0 : i32
          %dma_wait3A_303 = tpu.memref_slice %arg2[%dma_wait3A_300, %dma_wait3A_301, %dma_wait3A_302] : memref<20000x16x128xf32, #tpu.memory_space<hbm>> -> memref<20000x16x128xf32, #tpu.memory_space<hbm>>
          tpu.wait_indirect_dma semaphore(%arg22 : memref<!tpu.dma_semaphore, #tpu.memory_space<semaphore_mem>>) src(%dma_wait3A_303 : memref<20000x16x128xf32, #tpu.memory_space<hbm>>) dst(%arg13 : memref<16x16x128xf32, #tpu.memory_space<vmem>>)
          %run_scoped3A = arith.constant 0 : i32
          "tpu.region"() ({
            %run_scoped3A_312 = tpu.sem_alloc : memref<!tpu.dma_semaphore, #tpu.memory_space<semaphore_mem>>
            %dma_start3A_313 = arith.constant 0 : i32
            %dma_start3A_314 = tpu.memref_slice %arg12[%run_scoped3A, %dma_start3A_313] : memref<2x16xi32, #tpu.memory_space<vmem>> -> memref<1x16xi32, #tpu.memory_space<vmem>>
            %dma_start3A_315 = tpu.memref_squeeze %dma_start3A_314 : memref<1x16xi32, #tpu.memory_space<vmem>> -> memref<16xi32, #tpu.memory_space<vmem>>
            %dma_start3A_316 = arith.constant 0 : i32
            %dma_start3A_317 = arith.constant 0 : i32
            %dma_start3A_318 = arith.constant 0 : i32
            %dma_start3A_319 = tpu.memref_slice %arg20[%dma_start3A_316, %dma_start3A_317, %dma_start3A_318] : memref<520x16x128xf32, #tpu.memory_space<vmem_shared>> -> memref<520x16x128xf32, #tpu.memory_space<vmem_shared>>
            tpu.enqueue_indirect_dma source(%arg13 : memref<16x16x128xf32, #tpu.memory_space<vmem>>) target(%dma_start3A_319 : memref<520x16x128xf32, #tpu.memory_space<vmem_shared>>) offsets(%dma_start3A_315 : memref<16xi32, #tpu.memory_space<vmem>>) semaphore(%run_scoped3A_312 : memref<!tpu.dma_semaphore, #tpu.memory_space<semaphore_mem>>) {add = true}
            %dma_wait3A_320 = arith.constant 0 : i32
            %dma_wait3A_321 = tpu.memref_slice %arg12[%run_scoped3A, %dma_wait3A_320] : memref<2x16xi32, #tpu.memory_space<vmem>> -> memref<1x16xi32, #tpu.memory_space<vmem>>
            %dma_wait3A_322 = tpu.memref_squeeze %dma_wait3A_321 : memref<1x16xi32, #tpu.memory_space<vmem>> -> memref<16xi32, #tpu.memory_space<vmem>>
            %dma_wait3A_323 = arith.constant 0 : i32
            %dma_wait3A_324 = arith.constant 0 : i32
            %dma_wait3A_325 = arith.constant 0 : i32
            %dma_wait3A_326 = tpu.memref_slice %arg20[%dma_wait3A_323, %dma_wait3A_324, %dma_wait3A_325] : memref<520x16x128xf32, #tpu.memory_space<vmem_shared>> -> memref<520x16x128xf32, #tpu.memory_space<vmem_shared>>
            tpu.wait_indirect_dma semaphore(%run_scoped3A_312 : memref<!tpu.dma_semaphore, #tpu.memory_space<semaphore_mem>>) src(%arg13 : memref<16x16x128xf32, #tpu.memory_space<vmem>>) dst(%dma_wait3A_326 : memref<520x16x128xf32, #tpu.memory_space<vmem_shared>>)
            tpu.yield
          }) : () -> ()
          %dma_wait3A_304 = arith.constant 0 : i32
          %dma_wait3A_305 = arith.constant 0 : i32
          %dma_wait3A_306 = tpu.memref_slice %arg11[%dma_wait3A_304, %dma_wait3A_305] : memref<2x16xi32, #tpu.memory_space<vmem>> -> memref<1x16xi32, #tpu.memory_space<vmem>>
          %dma_wait3A_307 = tpu.memref_squeeze %dma_wait3A_306 : memref<1x16xi32, #tpu.memory_space<vmem>> -> memref<16xi32, #tpu.memory_space<vmem>>
          %dma_wait3A_308 = arith.constant 0 : i32
          %dma_wait3A_309 = arith.constant 0 : i32
          %dma_wait3A_310 = tpu.memref_slice %arg3[%dma_wait3A_308, %dma_wait3A_309] : memref<20000x128xf32, #tpu.memory_space<hbm>> -> memref<20000x128xf32, #tpu.memory_space<hbm>>
          tpu.wait_indirect_dma semaphore(%arg24 : memref<!tpu.dma_semaphore, #tpu.memory_space<semaphore_mem>>) src(%dma_wait3A_310 : memref<20000x128xf32, #tpu.memory_space<hbm>>) dst(%arg15 : memref<16x128xf32, #tpu.memory_space<vmem>>)
          %run_scoped3A_311 = arith.constant 0 : i32
          "tpu.region"() ({
            %run_scoped3A_312 = tpu.sem_alloc : memref<!tpu.dma_semaphore, #tpu.memory_space<semaphore_mem>>
            %dma_start3A_313 = arith.constant 0 : i32
            %dma_start3A_314 = tpu.memref_slice %arg12[%run_scoped3A_311, %dma_start3A_313] : memref<2x16xi32, #tpu.memory_space<vmem>> -> memref<1x16xi32, #tpu.memory_space<vmem>>
            %dma_start3A_315 = tpu.memref_squeeze %dma_start3A_314 : memref<1x16xi32, #tpu.memory_space<vmem>> -> memref<16xi32, #tpu.memory_space<vmem>>
            %dma_start3A_316 = arith.constant 0 : i32
            %dma_start3A_317 = arith.constant 0 : i32
            %dma_start3A_318 = tpu.memref_slice %arg21[%dma_start3A_316, %dma_start3A_317] : memref<520x128xf32, #tpu.memory_space<vmem_shared>> -> memref<520x128xf32, #tpu.memory_space<vmem_shared>>
            tpu.enqueue_indirect_dma source(%arg15 : memref<16x128xf32, #tpu.memory_space<vmem>>) target(%dma_start3A_318 : memref<520x128xf32, #tpu.memory_space<vmem_shared>>) offsets(%dma_start3A_315 : memref<16xi32, #tpu.memory_space<vmem>>) semaphore(%run_scoped3A_312 : memref<!tpu.dma_semaphore, #tpu.memory_space<semaphore_mem>>) {add = true}
            %dma_wait3A_319 = arith.constant 0 : i32
            %dma_wait3A_320 = tpu.memref_slice %arg12[%run_scoped3A_311, %dma_wait3A_319] : memref<2x16xi32, #tpu.memory_space<vmem>> -> memref<1x16xi32, #tpu.memory_space<vmem>>
            %dma_wait3A_321 = tpu.memref_squeeze %dma_wait3A_320 : memref<1x16xi32, #tpu.memory_space<vmem>> -> memref<16xi32, #tpu.memory_space<vmem>>
            %dma_wait3A_322 = arith.constant 0 : i32
            %dma_wait3A_323 = arith.constant 0 : i32
            %dma_wait3A_324 = tpu.memref_slice %arg21[%dma_wait3A_322, %dma_wait3A_323] : memref<520x128xf32, #tpu.memory_space<vmem_shared>> -> memref<520x128xf32, #tpu.memory_space<vmem_shared>>
            tpu.wait_indirect_dma semaphore(%run_scoped3A_312 : memref<!tpu.dma_semaphore, #tpu.memory_space<semaphore_mem>>) src(%arg15 : memref<16x128xf32, #tpu.memory_space<vmem>>) dst(%dma_wait3A_324 : memref<520x128xf32, #tpu.memory_space<vmem_shared>>)
            tpu.yield
          }) : () -> ()
        }
        %while3A_246 = arith.constant 1 : i32
        scf.for %while3A_247 = %while3A_244 to %while3A_240 step %while3A_246  : i32 {
          %mul3A_248 = arith.constant 16 : i32
          %mul3A_249 = arith.muli %while3A_247, %mul3A_248 : i32
          %add3A_250 = arith.addi %arg1, %mul3A_249 : i32
          %mul3A_251 = arith.constant 16 : i32
          %mul3A_252 = arith.muli %add3A_250, %mul3A_251 : i32
          %get3A_253 = arith.index_cast %mul3A_252 : i32 to index
          %get3A_254 = tpu.vector_load %arg9[%get3A_253] {strides = array<i32>} : memref<2048xi32, #tpu.memory_space<vmem>>, vector<16xi32>,
          %get3A_255 = vector.shape_cast %get3A_254 : vector<16xi32> to vector<16xi32>
          %mul3A_256 = arith.constant 16 : i32
          %mul3A_257 = arith.muli %add3A_250, %mul3A_256 : i32
          %get3A_258 = arith.index_cast %mul3A_257 : i32 to index
          %get3A_259 = tpu.vector_load %arg10[%get3A_258] {strides = array<i32>} : memref<2048xi32, #tpu.memory_space<vmem>>, vector<16xi32>,
          %get3A_260 = vector.shape_cast %get3A_259 : vector<16xi32> to vector<16xi32>
          %sub3A_261 = vector.broadcast %mul3A_56 : i32 to vector<16xi32>
          %sub3A_262 = arith.subi %get3A_260, %sub3A_261 : vector<16xi32>
          %ge3A = arith.constant 0 : i32
          %ge3A_263 = vector.broadcast %ge3A : i32 to vector<16xi32>
          %ge3A_264 = arith.cmpi sge, %sub3A_262, %ge3A_263 : vector<16xi32>
          %lt3A = arith.constant 512 : i32
          %lt3A_265 = vector.broadcast %lt3A : i32 to vector<16xi32>
          %lt3A_266 = arith.cmpi slt, %sub3A_262, %lt3A_265 : vector<16xi32>
          %and3A_267 = arith.andi %ge3A_264, %lt3A_266 : vector<16xi1>
          %swap3A = arith.constant 0 : i32
          %swap3A_268 = arith.index_cast %swap3A : i32 to index
          %swap3A_269 = arith.constant 0 : index
          %swap3A_270 = tpu.vector_load %arg11[%swap3A_268, %swap3A_269] {strides = array<i32>} : memref<2x16xi32, #tpu.memory_space<vmem>>, vector<1x16xi32>,
          %swap3A_271 = vector.shape_cast %swap3A_270 : vector<1x16xi32> to vector<16xi32>
          %swap3A_272 = vector.shape_cast %get3A_255 : vector<16xi32> to vector<1x16xi32>
          tpu.vector_store %arg11[%swap3A_268, %swap3A_269], %swap3A_272 {strides = array<i32>} : memref<2x16xi32, #tpu.memory_space<vmem>>, vector<1x16xi32>,
          %jit3A_273 = arith.constant 512 : i32
          %broadcast_in_dim3A = vector.broadcast %jit3A_273 : i32 to vector<16xi32>
          %select_n3A_274 = arith.select %and3A_267, %sub3A_262, %broadcast_in_dim3A : vector<16xi1>, vector<16xi32>
          %swap3A_275 = arith.constant 0 : i32
          %swap3A_276 = arith.index_cast %swap3A_275 : i32 to index
          %swap3A_277 = arith.constant 0 : index
          %swap3A_278 = tpu.vector_load %arg12[%swap3A_276, %swap3A_277] {strides = array<i32>} : memref<2x16xi32, #tpu.memory_space<vmem>>, vector<1x16xi32>,
          %swap3A_279 = vector.shape_cast %swap3A_278 : vector<1x16xi32> to vector<16xi32>
          %swap3A_280 = vector.shape_cast %select_n3A_274 : vector<16xi32> to vector<1x16xi32>
          tpu.vector_store %arg12[%swap3A_276, %swap3A_277], %swap3A_280 {strides = array<i32>} : memref<2x16xi32, #tpu.memory_space<vmem>>, vector<1x16xi32>,
          %dma_start3A_281 = arith.constant 0 : i32
          %dma_start3A_282 = arith.constant 0 : i32
          %dma_start3A_283 = tpu.memref_slice %arg11[%dma_start3A_281, %dma_start3A_282] : memref<2x16xi32, #tpu.memory_space<vmem>> -> memref<1x16xi32, #tpu.memory_space<vmem>>
          %dma_start3A_284 = tpu.memref_squeeze %dma_start3A_283 : memref<1x16xi32, #tpu.memory_space<vmem>> -> memref<16xi32, #tpu.memory_space<vmem>>
          %dma_start3A_285 = arith.constant 0 : i32
          %dma_start3A_286 = arith.constant 0 : i32
          %dma_start3A_287 = arith.constant 0 : i32
          %dma_start3A_288 = tpu.memref_slice %arg2[%dma_start3A_285, %dma_start3A_286, %dma_start3A_287] : memref<20000x16x128xf32, #tpu.memory_space<hbm>> -> memref<20000x16x128xf32, #tpu.memory_space<hbm>>
          tpu.enqueue_indirect_dma source(%dma_start3A_288 : memref<20000x16x128xf32, #tpu.memory_space<hbm>>) target(%arg13 : memref<16x16x128xf32, #tpu.memory_space<vmem>>) offsets(%dma_start3A_284 : memref<16xi32, #tpu.memory_space<vmem>>) semaphore(%arg22 : memref<!tpu.dma_semaphore, #tpu.memory_space<semaphore_mem>>)
          %dma_start3A_289 = arith.constant 0 : i32
          %dma_start3A_290 = arith.constant 0 : i32
          %dma_start3A_291 = tpu.memref_slice %arg11[%dma_start3A_289, %dma_start3A_290] : memref<2x16xi32, #tpu.memory_space<vmem>> -> memref<1x16xi32, #tpu.memory_space<vmem>>
          %dma_start3A_292 = tpu.memref_squeeze %dma_start3A_291 : memref<1x16xi32, #tpu.memory_space<vmem>> -> memref<16xi32, #tpu.memory_space<vmem>>
          %dma_start3A_293 = arith.constant 0 : i32
          %dma_start3A_294 = arith.constant 0 : i32
          %dma_start3A_295 = tpu.memref_slice %arg3[%dma_start3A_293, %dma_start3A_294] : memref<20000x128xf32, #tpu.memory_space<hbm>> -> memref<20000x128xf32, #tpu.memory_space<hbm>>
          tpu.enqueue_indirect_dma source(%dma_start3A_295 : memref<20000x128xf32, #tpu.memory_space<hbm>>) target(%arg15 : memref<16x128xf32, #tpu.memory_space<vmem>>) offsets(%dma_start3A_292 : memref<16xi32, #tpu.memory_space<vmem>>) semaphore(%arg24 : memref<!tpu.dma_semaphore, #tpu.memory_space<semaphore_mem>>)
          %dma_wait3A_296 = arith.constant 0 : i32
          %dma_wait3A_297 = arith.constant 0 : i32
          %dma_wait3A_298 = tpu.memref_slice %arg11[%dma_wait3A_296, %dma_wait3A_297] : memref<2x16xi32, #tpu.memory_space<vmem>> -> memref<1x16xi32, #tpu.memory_space<vmem>>
          %dma_wait3A_299 = tpu.memref_squeeze %dma_wait3A_298 : memref<1x16xi32, #tpu.memory_space<vmem>> -> memref<16xi32, #tpu.memory_space<vmem>>
          %dma_wait3A_300 = arith.constant 0 : i32
          %dma_wait3A_301 = arith.constant 0 : i32
          %dma_wait3A_302 = arith.constant 0 : i32
          %dma_wait3A_303 = tpu.memref_slice %arg2[%dma_wait3A_300, %dma_wait3A_301, %dma_wait3A_302] : memref<20000x16x128xf32, #tpu.memory_space<hbm>> -> memref<20000x16x128xf32, #tpu.memory_space<hbm>>
          tpu.wait_indirect_dma semaphore(%arg22 : memref<!tpu.dma_semaphore, #tpu.memory_space<semaphore_mem>>) src(%dma_wait3A_303 : memref<20000x16x128xf32, #tpu.memory_space<hbm>>) dst(%arg13 : memref<16x16x128xf32, #tpu.memory_space<vmem>>)
          %run_scoped3A = arith.constant 0 : i32
          "tpu.region"() ({
            %run_scoped3A_312 = tpu.sem_alloc : memref<!tpu.dma_semaphore, #tpu.memory_space<semaphore_mem>>
            %dma_start3A_313 = arith.constant 0 : i32
            %dma_start3A_314 = tpu.memref_slice %arg12[%run_scoped3A, %dma_start3A_313] : memref<2x16xi32, #tpu.memory_space<vmem>> -> memref<1x16xi32, #tpu.memory_space<vmem>>
            %dma_start3A_315 = tpu.memref_squeeze %dma_start3A_314 : memref<1x16xi32, #tpu.memory_space<vmem>> -> memref<16xi32, #tpu.memory_space<vmem>>
            %dma_start3A_316 = arith.constant 0 : i32
            %dma_start3A_317 = arith.constant 0 : i32
            %dma_start3A_318 = arith.constant 0 : i32
            %dma_start3A_319 = tpu.memref_slice %arg20[%dma_start3A_316, %dma_start3A_317, %dma_start3A_318] : memref<520x16x128xf32, #tpu.memory_space<vmem_shared>> -> memref<520x16x128xf32, #tpu.memory_space<vmem_shared>>
            tpu.enqueue_indirect_dma source(%arg13 : memref<16x16x128xf32, #tpu.memory_space<vmem>>) target(%dma_start3A_319 : memref<520x16x128xf32, #tpu.memory_space<vmem_shared>>) offsets(%dma_start3A_315 : memref<16xi32, #tpu.memory_space<vmem>>) semaphore(%run_scoped3A_312 : memref<!tpu.dma_semaphore, #tpu.memory_space<semaphore_mem>>) {add = true}
            %dma_wait3A_320 = arith.constant 0 : i32
            %dma_wait3A_321 = tpu.memref_slice %arg12[%run_scoped3A, %dma_wait3A_320] : memref<2x16xi32, #tpu.memory_space<vmem>> -> memref<1x16xi32, #tpu.memory_space<vmem>>
            %dma_wait3A_322 = tpu.memref_squeeze %dma_wait3A_321 : memref<1x16xi32, #tpu.memory_space<vmem>> -> memref<16xi32, #tpu.memory_space<vmem>>
            %dma_wait3A_323 = arith.constant 0 : i32
            %dma_wait3A_324 = arith.constant 0 : i32
            %dma_wait3A_325 = arith.constant 0 : i32
            %dma_wait3A_326 = tpu.memref_slice %arg20[%dma_wait3A_323, %dma_wait3A_324, %dma_wait3A_325] : memref<520x16x128xf32, #tpu.memory_space<vmem_shared>> -> memref<520x16x128xf32, #tpu.memory_space<vmem_shared>>
            tpu.wait_indirect_dma semaphore(%run_scoped3A_312 : memref<!tpu.dma_semaphore, #tpu.memory_space<semaphore_mem>>) src(%arg13 : memref<16x16x128xf32, #tpu.memory_space<vmem>>) dst(%dma_wait3A_326 : memref<520x16x128xf32, #tpu.memory_space<vmem_shared>>)
            tpu.yield
          }) : () -> ()
          %dma_wait3A_304 = arith.constant 0 : i32
          %dma_wait3A_305 = arith.constant 0 : i32
          %dma_wait3A_306 = tpu.memref_slice %arg11[%dma_wait3A_304, %dma_wait3A_305] : memref<2x16xi32, #tpu.memory_space<vmem>> -> memref<1x16xi32, #tpu.memory_space<vmem>>
          %dma_wait3A_307 = tpu.memref_squeeze %dma_wait3A_306 : memref<1x16xi32, #tpu.memory_space<vmem>> -> memref<16xi32, #tpu.memory_space<vmem>>
          %dma_wait3A_308 = arith.constant 0 : i32
          %dma_wait3A_309 = arith.constant 0 : i32
          %dma_wait3A_310 = tpu.memref_slice %arg3[%dma_wait3A_308, %dma_wait3A_309] : memref<20000x128xf32, #tpu.memory_space<hbm>> -> memref<20000x128xf32, #tpu.memory_space<hbm>>
          tpu.wait_indirect_dma semaphore(%arg24 : memref<!tpu.dma_semaphore, #tpu.memory_space<semaphore_mem>>) src(%dma_wait3A_310 : memref<20000x128xf32, #tpu.memory_space<hbm>>) dst(%arg15 : memref<16x128xf32, #tpu.memory_space<vmem>>)
          %run_scoped3A_311 = arith.constant 0 : i32
          "tpu.region"() ({
            %run_scoped3A_312 = tpu.sem_alloc : memref<!tpu.dma_semaphore, #tpu.memory_space<semaphore_mem>>
            %dma_start3A_313 = arith.constant 0 : i32
            %dma_start3A_314 = tpu.memref_slice %arg12[%run_scoped3A_311, %dma_start3A_313] : memref<2x16xi32, #tpu.memory_space<vmem>> -> memref<1x16xi32, #tpu.memory_space<vmem>>
            %dma_start3A_315 = tpu.memref_squeeze %dma_start3A_314 : memref<1x16xi32, #tpu.memory_space<vmem>> -> memref<16xi32, #tpu.memory_space<vmem>>
            %dma_start3A_316 = arith.constant 0 : i32
            %dma_start3A_317 = arith.constant 0 : i32
            %dma_start3A_318 = tpu.memref_slice %arg21[%dma_start3A_316, %dma_start3A_317] : memref<520x128xf32, #tpu.memory_space<vmem_shared>> -> memref<520x128xf32, #tpu.memory_space<vmem_shared>>
            tpu.enqueue_indirect_dma source(%arg15 : memref<16x128xf32, #tpu.memory_space<vmem>>) target(%dma_start3A_318 : memref<520x128xf32, #tpu.memory_space<vmem_shared>>) offsets(%dma_start3A_315 : memref<16xi32, #tpu.memory_space<vmem>>) semaphore(%run_scoped3A_312 : memref<!tpu.dma_semaphore, #tpu.memory_space<semaphore_mem>>) {add = true}
            %dma_wait3A_319 = arith.constant 0 : i32
            %dma_wait3A_320 = tpu.memref_slice %arg12[%run_scoped3A_311, %dma_wait3A_319] : memref<2x16xi32, #tpu.memory_space<vmem>> -> memref<1x16xi32, #tpu.memory_space<vmem>>
            %dma_wait3A_321 = tpu.memref_squeeze %dma_wait3A_320 : memref<1x16xi32, #tpu.memory_space<vmem>> -> memref<16xi32, #tpu.memory_space<vmem>>
            %dma_wait3A_322 = arith.constant 0 : i32
            %dma_wait3A_323 = arith.constant 0 : i32
            %dma_wait3A_324 = tpu.memref_slice %arg21[%dma_wait3A_322, %dma_wait3A_323] : memref<520x128xf32, #tpu.memory_space<vmem_shared>> -> memref<520x128xf32, #tpu.memory_space<vmem_shared>>
            tpu.wait_indirect_dma semaphore(%run_scoped3A_312 : memref<!tpu.dma_semaphore, #tpu.memory_space<semaphore_mem>>) src(%arg15 : memref<16x128xf32, #tpu.memory_space<vmem>>) dst(%dma_wait3A_324 : memref<520x128xf32, #tpu.memory_space<vmem_shared>>)
            tpu.yield
          }) : () -> ()
        }
      }
      %barrier3A_117 = arith.constant 0 : index
      tpu.barrier barrier_id(%barrier3A_117)
      %mul3A_118 = arith.constant 32 : i32
      %mul3A_119 = arith.muli %arg1, %mul3A_118 : i32
      %mul3A_120 = arith.constant 32 : i32
      %mul3A_121 = arith.muli %arg1, %mul3A_120 : i32
      %add3A_122 = arith.addi %mul3A_56, %mul3A_121 : i32
      "tpu.region"() ({
        %run_scoped3A = tpu.sem_alloc : memref<!tpu.dma_semaphore, #tpu.memory_space<semaphore_mem>>
        %dma_start3A = arith.constant 0 : i32
        %dma_start3A_168 = arith.constant 0 : i32
        %dma_start3A_169 = tpu.memref_slice %arg7[%add3A_122, %dma_start3A, %dma_start3A_168] : memref<16384x16x128xf32, #tpu.memory_space<hbm>> -> memref<32x16x128xf32, #tpu.memory_space<hbm>>
        %dma_start3A_170 = arith.constant 0 : i32
        %dma_start3A_171 = arith.constant 0 : i32
        %dma_start3A_172 = tpu.memref_slice %arg20[%mul3A_119, %dma_start3A_170, %dma_start3A_171] : memref<520x16x128xf32, #tpu.memory_space<vmem_shared>> -> memref<32x16x128xf32, #tpu.memory_space<vmem_shared>>
        tpu.enqueue_dma source(%dma_start3A_172 : memref<32x16x128xf32, #tpu.memory_space<vmem_shared>>) target(%dma_start3A_169 : memref<32x16x128xf32, #tpu.memory_space<hbm>>) target_semaphore(%run_scoped3A : memref<!tpu.dma_semaphore, #tpu.memory_space<semaphore_mem>>)
        %dma_wait3A = arith.constant 0 : i32
        %dma_wait3A_173 = arith.constant 0 : i32
        %dma_wait3A_174 = tpu.memref_slice %arg7[%add3A_122, %dma_wait3A, %dma_wait3A_173] : memref<16384x16x128xf32, #tpu.memory_space<hbm>> -> memref<32x16x128xf32, #tpu.memory_space<hbm>>
        %dma_wait3A_175 = arith.constant 0 : i32
        %dma_wait3A_176 = arith.constant 0 : i32
        %dma_wait3A_177 = tpu.memref_slice %arg20[%mul3A_119, %dma_wait3A_175, %dma_wait3A_176] : memref<520x16x128xf32, #tpu.memory_space<vmem_shared>> -> memref<32x16x128xf32, #tpu.memory_space<vmem_shared>>
        tpu.wait_dma2 semaphore(%run_scoped3A : memref<!tpu.dma_semaphore, #tpu.memory_space<semaphore_mem>>) src(%dma_wait3A_177 : memref<32x16x128xf32, #tpu.memory_space<vmem_shared>>) dst(%dma_wait3A_174 : memref<32x16x128xf32, #tpu.memory_space<hbm>>)
        tpu.yield
      }) : () -> ()
      %mul3A_123 = arith.constant 32 : i32
      %mul3A_124 = arith.muli %arg1, %mul3A_123 : i32
      %mul3A_125 = arith.constant 32 : i32
      %mul3A_126 = arith.muli %arg1, %mul3A_125 : i32
      %add3A_127 = arith.addi %mul3A_56, %mul3A_126 : i32
      "tpu.region"() ({
        %run_scoped3A = tpu.sem_alloc : memref<!tpu.dma_semaphore, #tpu.memory_space<semaphore_mem>>
        %dma_start3A = arith.constant 0 : i32
        %dma_start3A_168 = tpu.memref_slice %arg8[%add3A_127, %dma_start3A] : memref<16384x128xf32, #tpu.memory_space<hbm>> -> memref<32x128xf32, #tpu.memory_space<hbm>>
        %dma_start3A_169 = arith.constant 0 : i32
        %dma_start3A_170 = tpu.memref_slice %arg21[%mul3A_124, %dma_start3A_169] : memref<520x128xf32, #tpu.memory_space<vmem_shared>> -> memref<32x128xf32, #tpu.memory_space<vmem_shared>>
        tpu.enqueue_dma source(%dma_start3A_170 : memref<32x128xf32, #tpu.memory_space<vmem_shared>>) target(%dma_start3A_168 : memref<32x128xf32, #tpu.memory_space<hbm>>) target_semaphore(%run_scoped3A : memref<!tpu.dma_semaphore, #tpu.memory_space<semaphore_mem>>)
        %dma_wait3A = arith.constant 0 : i32
        %dma_wait3A_171 = tpu.memref_slice %arg8[%add3A_127, %dma_wait3A] : memref<16384x128xf32, #tpu.memory_space<hbm>> -> memref<32x128xf32, #tpu.memory_space<hbm>>
        %dma_wait3A_172 = arith.constant 0 : i32
        %dma_wait3A_173 = tpu.memref_slice %arg21[%mul3A_124, %dma_wait3A_172] : memref<520x128xf32, #tpu.memory_space<vmem_shared>> -> memref<32x128xf32, #tpu.memory_space<vmem_shared>>
        tpu.wait_dma2 semaphore(%run_scoped3A : memref<!tpu.dma_semaphore, #tpu.memory_space<semaphore_mem>>) src(%dma_wait3A_173 : memref<32x128xf32, #tpu.memory_space<vmem_shared>>) dst(%dma_wait3A_171 : memref<32x128xf32, #tpu.memory_space<hbm>>)
        tpu.yield
      }) : () -> ()
      %mul3A_128 = arith.constant 32 : i32
      %mul3A_129 = arith.muli %arg1, %mul3A_128 : i32
      %add3A_130 = arith.constant 0 : i32
      %add3A_131 = arith.addi %mul3A_129, %add3A_130 : i32
      "tpu.region"() ({
        %run_scoped3A = tpu.sem_alloc : memref<!tpu.dma_semaphore, #tpu.memory_space<semaphore_mem>>
        %dma_start3A = arith.constant 0 : i32
        %dma_start3A_168 = arith.constant 0 : i32
        %dma_start3A_169 = tpu.memref_slice %arg20[%add3A_131, %dma_start3A, %dma_start3A_168] : memref<520x16x128xf32, #tpu.memory_space<vmem_shared>> -> memref<4x16x128xf32, #tpu.memory_space<vmem_shared>>
        %dma_start3A_170 = arith.constant 0 : i32
        %dma_start3A_171 = arith.constant 0 : i32
        %dma_start3A_172 = tpu.memref_slice %arg20[%add3A_131, %dma_start3A_170, %dma_start3A_171] : memref<520x16x128xf32, #tpu.memory_space<vmem_shared>> -> memref<4x16x128xf32, #tpu.memory_space<vmem_shared>>
        tpu.enqueue_dma source(%arg17 : memref<4x16x128xf32, #tpu.memory_space<vmem>>) target(%dma_start3A_172 : memref<4x16x128xf32, #tpu.memory_space<vmem_shared>>) target_semaphore(%run_scoped3A : memref<!tpu.dma_semaphore, #tpu.memory_space<semaphore_mem>>)
        %dma_wait3A = arith.constant 0 : i32
        %dma_wait3A_173 = arith.constant 0 : i32
        %dma_wait3A_174 = tpu.memref_slice %arg20[%add3A_131, %dma_wait3A, %dma_wait3A_173] : memref<520x16x128xf32, #tpu.memory_space<vmem_shared>> -> memref<4x16x128xf32, #tpu.memory_space<vmem_shared>>
        %dma_wait3A_175 = arith.constant 0 : i32
        %dma_wait3A_176 = arith.constant 0 : i32
        %dma_wait3A_177 = tpu.memref_slice %arg20[%add3A_131, %dma_wait3A_175, %dma_wait3A_176] : memref<520x16x128xf32, #tpu.memory_space<vmem_shared>> -> memref<4x16x128xf32, #tpu.memory_space<vmem_shared>>
        tpu.wait_dma2 semaphore(%run_scoped3A : memref<!tpu.dma_semaphore, #tpu.memory_space<semaphore_mem>>) src(%arg17 : memref<4x16x128xf32, #tpu.memory_space<vmem>>) dst(%dma_wait3A_177 : memref<4x16x128xf32, #tpu.memory_space<vmem_shared>>)
        tpu.yield
      }) : () -> ()
      %mul3A_132 = arith.constant 32 : i32
      %mul3A_133 = arith.muli %arg1, %mul3A_132 : i32
      %add3A_134 = arith.constant 4 : i32
      %add3A_135 = arith.addi %mul3A_133, %add3A_134 : i32
      "tpu.region"() ({
        %run_scoped3A = tpu.sem_alloc : memref<!tpu.dma_semaphore, #tpu.memory_space<semaphore_mem>>
        %dma_start3A = arith.constant 0 : i32
        %dma_start3A_168 = arith.constant 0 : i32
        %dma_start3A_169 = tpu.memref_slice %arg20[%add3A_135, %dma_start3A, %dma_start3A_168] : memref<520x16x128xf32, #tpu.memory_space<vmem_shared>> -> memref<4x16x128xf32, #tpu.memory_space<vmem_shared>>
        %dma_start3A_170 = arith.constant 0 : i32
        %dma_start3A_171 = arith.constant 0 : i32
        %dma_start3A_172 = tpu.memref_slice %arg20[%add3A_135, %dma_start3A_170, %dma_start3A_171] : memref<520x16x128xf32, #tpu.memory_space<vmem_shared>> -> memref<4x16x128xf32, #tpu.memory_space<vmem_shared>>
        tpu.enqueue_dma source(%arg17 : memref<4x16x128xf32, #tpu.memory_space<vmem>>) target(%dma_start3A_172 : memref<4x16x128xf32, #tpu.memory_space<vmem_shared>>) target_semaphore(%run_scoped3A : memref<!tpu.dma_semaphore, #tpu.memory_space<semaphore_mem>>)
        %dma_wait3A = arith.constant 0 : i32
        %dma_wait3A_173 = arith.constant 0 : i32
        %dma_wait3A_174 = tpu.memref_slice %arg20[%add3A_135, %dma_wait3A, %dma_wait3A_173] : memref<520x16x128xf32, #tpu.memory_space<vmem_shared>> -> memref<4x16x128xf32, #tpu.memory_space<vmem_shared>>
        %dma_wait3A_175 = arith.constant 0 : i32
        %dma_wait3A_176 = arith.constant 0 : i32
        %dma_wait3A_177 = tpu.memref_slice %arg20[%add3A_135, %dma_wait3A_175, %dma_wait3A_176] : memref<520x16x128xf32, #tpu.memory_space<vmem_shared>> -> memref<4x16x128xf32, #tpu.memory_space<vmem_shared>>
        tpu.wait_dma2 semaphore(%run_scoped3A : memref<!tpu.dma_semaphore, #tpu.memory_space<semaphore_mem>>) src(%arg17 : memref<4x16x128xf32, #tpu.memory_space<vmem>>) dst(%dma_wait3A_177 : memref<4x16x128xf32, #tpu.memory_space<vmem_shared>>)
        tpu.yield
      }) : () -> ()
      %mul3A_136 = arith.constant 32 : i32
      %mul3A_137 = arith.muli %arg1, %mul3A_136 : i32
      %add3A_138 = arith.constant 8 : i32
      %add3A_139 = arith.addi %mul3A_137, %add3A_138 : i32
      "tpu.region"() ({
        %run_scoped3A = tpu.sem_alloc : memref<!tpu.dma_semaphore, #tpu.memory_space<semaphore_mem>>
        %dma_start3A = arith.constant 0 : i32
        %dma_start3A_168 = arith.constant 0 : i32
        %dma_start3A_169 = tpu.memref_slice %arg20[%add3A_139, %dma_start3A, %dma_start3A_168] : memref<520x16x128xf32, #tpu.memory_space<vmem_shared>> -> memref<4x16x128xf32, #tpu.memory_space<vmem_shared>>
        %dma_start3A_170 = arith.constant 0 : i32
        %dma_start3A_171 = arith.constant 0 : i32
        %dma_start3A_172 = tpu.memref_slice %arg20[%add3A_139, %dma_start3A_170, %dma_start3A_171] : memref<520x16x128xf32, #tpu.memory_space<vmem_shared>> -> memref<4x16x128xf32, #tpu.memory_space<vmem_shared>>
        tpu.enqueue_dma source(%arg17 : memref<4x16x128xf32, #tpu.memory_space<vmem>>) target(%dma_start3A_172 : memref<4x16x128xf32, #tpu.memory_space<vmem_shared>>) target_semaphore(%run_scoped3A : memref<!tpu.dma_semaphore, #tpu.memory_space<semaphore_mem>>)
        %dma_wait3A = arith.constant 0 : i32
        %dma_wait3A_173 = arith.constant 0 : i32
        %dma_wait3A_174 = tpu.memref_slice %arg20[%add3A_139, %dma_wait3A, %dma_wait3A_173] : memref<520x16x128xf32, #tpu.memory_space<vmem_shared>> -> memref<4x16x128xf32, #tpu.memory_space<vmem_shared>>
        %dma_wait3A_175 = arith.constant 0 : i32
        %dma_wait3A_176 = arith.constant 0 : i32
        %dma_wait3A_177 = tpu.memref_slice %arg20[%add3A_139, %dma_wait3A_175, %dma_wait3A_176] : memref<520x16x128xf32, #tpu.memory_space<vmem_shared>> -> memref<4x16x128xf32, #tpu.memory_space<vmem_shared>>
        tpu.wait_dma2 semaphore(%run_scoped3A : memref<!tpu.dma_semaphore, #tpu.memory_space<semaphore_mem>>) src(%arg17 : memref<4x16x128xf32, #tpu.memory_space<vmem>>) dst(%dma_wait3A_177 : memref<4x16x128xf32, #tpu.memory_space<vmem_shared>>)
        tpu.yield
      }) : () -> ()
      %mul3A_140 = arith.constant 32 : i32
      %mul3A_141 = arith.muli %arg1, %mul3A_140 : i32
      %add3A_142 = arith.constant 12 : i32
      %add3A_143 = arith.addi %mul3A_141, %add3A_142 : i32
      "tpu.region"() ({
        %run_scoped3A = tpu.sem_alloc : memref<!tpu.dma_semaphore, #tpu.memory_space<semaphore_mem>>
        %dma_start3A = arith.constant 0 : i32
        %dma_start3A_168 = arith.constant 0 : i32
        %dma_start3A_169 = tpu.memref_slice %arg20[%add3A_143, %dma_start3A, %dma_start3A_168] : memref<520x16x128xf32, #tpu.memory_space<vmem_shared>> -> memref<4x16x128xf32, #tpu.memory_space<vmem_shared>>
        %dma_start3A_170 = arith.constant 0 : i32
        %dma_start3A_171 = arith.constant 0 : i32
        %dma_start3A_172 = tpu.memref_slice %arg20[%add3A_143, %dma_start3A_170, %dma_start3A_171] : memref<520x16x128xf32, #tpu.memory_space<vmem_shared>> -> memref<4x16x128xf32, #tpu.memory_space<vmem_shared>>
        tpu.enqueue_dma source(%arg17 : memref<4x16x128xf32, #tpu.memory_space<vmem>>) target(%dma_start3A_172 : memref<4x16x128xf32, #tpu.memory_space<vmem_shared>>) target_semaphore(%run_scoped3A : memref<!tpu.dma_semaphore, #tpu.memory_space<semaphore_mem>>)
        %dma_wait3A = arith.constant 0 : i32
        %dma_wait3A_173 = arith.constant 0 : i32
        %dma_wait3A_174 = tpu.memref_slice %arg20[%add3A_143, %dma_wait3A, %dma_wait3A_173] : memref<520x16x128xf32, #tpu.memory_space<vmem_shared>> -> memref<4x16x128xf32, #tpu.memory_space<vmem_shared>>
        %dma_wait3A_175 = arith.constant 0 : i32
        %dma_wait3A_176 = arith.constant 0 : i32
        %dma_wait3A_177 = tpu.memref_slice %arg20[%add3A_143, %dma_wait3A_175, %dma_wait3A_176] : memref<520x16x128xf32, #tpu.memory_space<vmem_shared>> -> memref<4x16x128xf32, #tpu.memory_space<vmem_shared>>
        tpu.wait_dma2 semaphore(%run_scoped3A : memref<!tpu.dma_semaphore, #tpu.memory_space<semaphore_mem>>) src(%arg17 : memref<4x16x128xf32, #tpu.memory_space<vmem>>) dst(%dma_wait3A_177 : memref<4x16x128xf32, #tpu.memory_space<vmem_shared>>)
        tpu.yield
      }) : () -> ()
      %mul3A_144 = arith.constant 32 : i32
      %mul3A_145 = arith.muli %arg1, %mul3A_144 : i32
      %add3A_146 = arith.constant 16 : i32
      %add3A_147 = arith.addi %mul3A_145, %add3A_146 : i32
      "tpu.region"() ({
        %run_scoped3A = tpu.sem_alloc : memref<!tpu.dma_semaphore, #tpu.memory_space<semaphore_mem>>
        %dma_start3A = arith.constant 0 : i32
        %dma_start3A_168 = arith.constant 0 : i32
        %dma_start3A_169 = tpu.memref_slice %arg20[%add3A_147, %dma_start3A, %dma_start3A_168] : memref<520x16x128xf32, #tpu.memory_space<vmem_shared>> -> memref<4x16x128xf32, #tpu.memory_space<vmem_shared>>
        %dma_start3A_170 = arith.constant 0 : i32
        %dma_start3A_171 = arith.constant 0 : i32
        %dma_start3A_172 = tpu.memref_slice %arg20[%add3A_147, %dma_start3A_170, %dma_start3A_171] : memref<520x16x128xf32, #tpu.memory_space<vmem_shared>> -> memref<4x16x128xf32, #tpu.memory_space<vmem_shared>>
        tpu.enqueue_dma source(%arg17 : memref<4x16x128xf32, #tpu.memory_space<vmem>>) target(%dma_start3A_172 : memref<4x16x128xf32, #tpu.memory_space<vmem_shared>>) target_semaphore(%run_scoped3A : memref<!tpu.dma_semaphore, #tpu.memory_space<semaphore_mem>>)
        %dma_wait3A = arith.constant 0 : i32
        %dma_wait3A_173 = arith.constant 0 : i32
        %dma_wait3A_174 = tpu.memref_slice %arg20[%add3A_147, %dma_wait3A, %dma_wait3A_173] : memref<520x16x128xf32, #tpu.memory_space<vmem_shared>> -> memref<4x16x128xf32, #tpu.memory_space<vmem_shared>>
        %dma_wait3A_175 = arith.constant 0 : i32
        %dma_wait3A_176 = arith.constant 0 : i32
        %dma_wait3A_177 = tpu.memref_slice %arg20[%add3A_147, %dma_wait3A_175, %dma_wait3A_176] : memref<520x16x128xf32, #tpu.memory_space<vmem_shared>> -> memref<4x16x128xf32, #tpu.memory_space<vmem_shared>>
        tpu.wait_dma2 semaphore(%run_scoped3A : memref<!tpu.dma_semaphore, #tpu.memory_space<semaphore_mem>>) src(%arg17 : memref<4x16x128xf32, #tpu.memory_space<vmem>>) dst(%dma_wait3A_177 : memref<4x16x128xf32, #tpu.memory_space<vmem_shared>>)
        tpu.yield
      }) : () -> ()
      %mul3A_148 = arith.constant 32 : i32
      %mul3A_149 = arith.muli %arg1, %mul3A_148 : i32
      %add3A_150 = arith.constant 20 : i32
      %add3A_151 = arith.addi %mul3A_149, %add3A_150 : i32
      "tpu.region"() ({
        %run_scoped3A = tpu.sem_alloc : memref<!tpu.dma_semaphore, #tpu.memory_space<semaphore_mem>>
        %dma_start3A = arith.constant 0 : i32
        %dma_start3A_168 = arith.constant 0 : i32
        %dma_start3A_169 = tpu.memref_slice %arg20[%add3A_151, %dma_start3A, %dma_start3A_168] : memref<520x16x128xf32, #tpu.memory_space<vmem_shared>> -> memref<4x16x128xf32, #tpu.memory_space<vmem_shared>>
        %dma_start3A_170 = arith.constant 0 : i32
        %dma_start3A_171 = arith.constant 0 : i32
        %dma_start3A_172 = tpu.memref_slice %arg20[%add3A_151, %dma_start3A_170, %dma_start3A_171] : memref<520x16x128xf32, #tpu.memory_space<vmem_shared>> -> memref<4x16x128xf32, #tpu.memory_space<vmem_shared>>
        tpu.enqueue_dma source(%arg17 : memref<4x16x128xf32, #tpu.memory_space<vmem>>) target(%dma_start3A_172 : memref<4x16x128xf32, #tpu.memory_space<vmem_shared>>) target_semaphore(%run_scoped3A : memref<!tpu.dma_semaphore, #tpu.memory_space<semaphore_mem>>)
        %dma_wait3A = arith.constant 0 : i32
        %dma_wait3A_173 = arith.constant 0 : i32
        %dma_wait3A_174 = tpu.memref_slice %arg20[%add3A_151, %dma_wait3A, %dma_wait3A_173] : memref<520x16x128xf32, #tpu.memory_space<vmem_shared>> -> memref<4x16x128xf32, #tpu.memory_space<vmem_shared>>
        %dma_wait3A_175 = arith.constant 0 : i32
        %dma_wait3A_176 = arith.constant 0 : i32
        %dma_wait3A_177 = tpu.memref_slice %arg20[%add3A_151, %dma_wait3A_175, %dma_wait3A_176] : memref<520x16x128xf32, #tpu.memory_space<vmem_shared>> -> memref<4x16x128xf32, #tpu.memory_space<vmem_shared>>
        tpu.wait_dma2 semaphore(%run_scoped3A : memref<!tpu.dma_semaphore, #tpu.memory_space<semaphore_mem>>) src(%arg17 : memref<4x16x128xf32, #tpu.memory_space<vmem>>) dst(%dma_wait3A_177 : memref<4x16x128xf32, #tpu.memory_space<vmem_shared>>)
        tpu.yield
      }) : () -> ()
      %mul3A_152 = arith.constant 32 : i32
      %mul3A_153 = arith.muli %arg1, %mul3A_152 : i32
      %add3A_154 = arith.constant 24 : i32
      %add3A_155 = arith.addi %mul3A_153, %add3A_154 : i32
      "tpu.region"() ({
        %run_scoped3A = tpu.sem_alloc : memref<!tpu.dma_semaphore, #tpu.memory_space<semaphore_mem>>
        %dma_start3A = arith.constant 0 : i32
        %dma_start3A_168 = arith.constant 0 : i32
        %dma_start3A_169 = tpu.memref_slice %arg20[%add3A_155, %dma_start3A, %dma_start3A_168] : memref<520x16x128xf32, #tpu.memory_space<vmem_shared>> -> memref<4x16x128xf32, #tpu.memory_space<vmem_shared>>
        %dma_start3A_170 = arith.constant 0 : i32
        %dma_start3A_171 = arith.constant 0 : i32
        %dma_start3A_172 = tpu.memref_slice %arg20[%add3A_155, %dma_start3A_170, %dma_start3A_171] : memref<520x16x128xf32, #tpu.memory_space<vmem_shared>> -> memref<4x16x128xf32, #tpu.memory_space<vmem_shared>>
        tpu.enqueue_dma source(%arg17 : memref<4x16x128xf32, #tpu.memory_space<vmem>>) target(%dma_start3A_172 : memref<4x16x128xf32, #tpu.memory_space<vmem_shared>>) target_semaphore(%run_scoped3A : memref<!tpu.dma_semaphore, #tpu.memory_space<semaphore_mem>>)
        %dma_wait3A = arith.constant 0 : i32
        %dma_wait3A_173 = arith.constant 0 : i32
        %dma_wait3A_174 = tpu.memref_slice %arg20[%add3A_155, %dma_wait3A, %dma_wait3A_173] : memref<520x16x128xf32, #tpu.memory_space<vmem_shared>> -> memref<4x16x128xf32, #tpu.memory_space<vmem_shared>>
        %dma_wait3A_175 = arith.constant 0 : i32
        %dma_wait3A_176 = arith.constant 0 : i32
        %dma_wait3A_177 = tpu.memref_slice %arg20[%add3A_155, %dma_wait3A_175, %dma_wait3A_176] : memref<520x16x128xf32, #tpu.memory_space<vmem_shared>> -> memref<4x16x128xf32, #tpu.memory_space<vmem_shared>>
        tpu.wait_dma2 semaphore(%run_scoped3A : memref<!tpu.dma_semaphore, #tpu.memory_space<semaphore_mem>>) src(%arg17 : memref<4x16x128xf32, #tpu.memory_space<vmem>>) dst(%dma_wait3A_177 : memref<4x16x128xf32, #tpu.memory_space<vmem_shared>>)
        tpu.yield
      }) : () -> ()
      %mul3A_156 = arith.constant 32 : i32
      %mul3A_157 = arith.muli %arg1, %mul3A_156 : i32
      %add3A_158 = arith.constant 28 : i32
      %add3A_159 = arith.addi %mul3A_157, %add3A_158 : i32
      "tpu.region"() ({
        %run_scoped3A = tpu.sem_alloc : memref<!tpu.dma_semaphore, #tpu.memory_space<semaphore_mem>>
        %dma_start3A = arith.constant 0 : i32
        %dma_start3A_168 = arith.constant 0 : i32
        %dma_start3A_169 = tpu.memref_slice %arg20[%add3A_159, %dma_start3A, %dma_start3A_168] : memref<520x16x128xf32, #tpu.memory_space<vmem_shared>> -> memref<4x16x128xf32, #tpu.memory_space<vmem_shared>>
        %dma_start3A_170 = arith.constant 0 : i32
        %dma_start3A_171 = arith.constant 0 : i32
        %dma_start3A_172 = tpu.memref_slice %arg20[%add3A_159, %dma_start3A_170, %dma_start3A_171] : memref<520x16x128xf32, #tpu.memory_space<vmem_shared>> -> memref<4x16x128xf32, #tpu.memory_space<vmem_shared>>
        tpu.enqueue_dma source(%arg17 : memref<4x16x128xf32, #tpu.memory_space<vmem>>) target(%dma_start3A_172 : memref<4x16x128xf32, #tpu.memory_space<vmem_shared>>) target_semaphore(%run_scoped3A : memref<!tpu.dma_semaphore, #tpu.memory_space<semaphore_mem>>)
        %dma_wait3A = arith.constant 0 : i32
        %dma_wait3A_173 = arith.constant 0 : i32
        %dma_wait3A_174 = tpu.memref_slice %arg20[%add3A_159, %dma_wait3A, %dma_wait3A_173] : memref<520x16x128xf32, #tpu.memory_space<vmem_shared>> -> memref<4x16x128xf32, #tpu.memory_space<vmem_shared>>
        %dma_wait3A_175 = arith.constant 0 : i32
        %dma_wait3A_176 = arith.constant 0 : i32
        %dma_wait3A_177 = tpu.memref_slice %arg20[%add3A_159, %dma_wait3A_175, %dma_wait3A_176] : memref<520x16x128xf32, #tpu.memory_space<vmem_shared>> -> memref<4x16x128xf32, #tpu.memory_space<vmem_shared>>
        tpu.wait_dma2 semaphore(%run_scoped3A : memref<!tpu.dma_semaphore, #tpu.memory_space<semaphore_mem>>) src(%arg17 : memref<4x16x128xf32, #tpu.memory_space<vmem>>) dst(%dma_wait3A_177 : memref<4x16x128xf32, #tpu.memory_space<vmem_shared>>)
        tpu.yield
      }) : () -> ()
      %mul3A_160 = arith.constant 32 : i32
      %mul3A_161 = arith.muli %arg1, %mul3A_160 : i32
      "tpu.region"() ({
        %run_scoped3A = tpu.sem_alloc : memref<!tpu.dma_semaphore, #tpu.memory_space<semaphore_mem>>
        %dma_start3A = arith.constant 0 : i32
        %dma_start3A_168 = tpu.memref_slice %arg21[%mul3A_161, %dma_start3A] : memref<520x128xf32, #tpu.memory_space<vmem_shared>> -> memref<32x128xf32, #tpu.memory_space<vmem_shared>>
        %dma_start3A_169 = arith.constant 0 : i32
        %dma_start3A_170 = tpu.memref_slice %arg21[%mul3A_161, %dma_start3A_169] : memref<520x128xf32, #tpu.memory_space<vmem_shared>> -> memref<32x128xf32, #tpu.memory_space<vmem_shared>>
        tpu.enqueue_dma source(%arg18 : memref<32x128xf32, #tpu.memory_space<vmem>>) target(%dma_start3A_170 : memref<32x128xf32, #tpu.memory_space<vmem_shared>>) target_semaphore(%run_scoped3A : memref<!tpu.dma_semaphore, #tpu.memory_space<semaphore_mem>>)
        %dma_wait3A = arith.constant 0 : i32
        %dma_wait3A_171 = tpu.memref_slice %arg21[%mul3A_161, %dma_wait3A] : memref<520x128xf32, #tpu.memory_space<vmem_shared>> -> memref<32x128xf32, #tpu.memory_space<vmem_shared>>
        %dma_wait3A_172 = arith.constant 0 : i32
        %dma_wait3A_173 = tpu.memref_slice %arg21[%mul3A_161, %dma_wait3A_172] : memref<520x128xf32, #tpu.memory_space<vmem_shared>> -> memref<32x128xf32, #tpu.memory_space<vmem_shared>>
        tpu.wait_dma2 semaphore(%run_scoped3A : memref<!tpu.dma_semaphore, #tpu.memory_space<semaphore_mem>>) src(%arg18 : memref<32x128xf32, #tpu.memory_space<vmem>>) dst(%dma_wait3A_173 : memref<32x128xf32, #tpu.memory_space<vmem_shared>>)
        tpu.yield
      }) : () -> ()
      %eq3A_162 = arith.constant 0 : i32
      %eq3A_163 = arith.cmpi eq, %arg1, %eq3A_162 : i32
      %convert_element_type3A_164 = arith.extui %eq3A_163 : i1 to i32
      %cond3A_165 = arith.constant 0 : i32
      %cond3A_166 = arith.cmpi ne, %convert_element_type3A_164, %cond3A_165 : i32
      scf.if %cond3A_166 {
        "tpu.region"() ({
          %run_scoped3A = tpu.sem_alloc : memref<!tpu.dma_semaphore, #tpu.memory_space<semaphore_mem>>
          %dma_start3A = arith.constant 512 : i32
          %dma_start3A_168 = arith.constant 0 : i32
          %dma_start3A_169 = arith.constant 0 : i32
          %dma_start3A_170 = tpu.memref_slice %arg20[%dma_start3A, %dma_start3A_168, %dma_start3A_169] : memref<520x16x128xf32, #tpu.memory_space<vmem_shared>> -> memref<4x16x128xf32, #tpu.memory_space<vmem_shared>>
          %dma_start3A_171 = arith.constant 512 : i32
          %dma_start3A_172 = arith.constant 0 : i32
          %dma_start3A_173 = arith.constant 0 : i32
          %dma_start3A_174 = tpu.memref_slice %arg20[%dma_start3A_171, %dma_start3A_172, %dma_start3A_173] : memref<520x16x128xf32, #tpu.memory_space<vmem_shared>> -> memref<4x16x128xf32, #tpu.memory_space<vmem_shared>>
          tpu.enqueue_dma source(%arg17 : memref<4x16x128xf32, #tpu.memory_space<vmem>>) target(%dma_start3A_174 : memref<4x16x128xf32, #tpu.memory_space<vmem_shared>>) target_semaphore(%run_scoped3A : memref<!tpu.dma_semaphore, #tpu.memory_space<semaphore_mem>>)
          %dma_wait3A = arith.constant 512 : i32
          %dma_wait3A_175 = arith.constant 0 : i32
          %dma_wait3A_176 = arith.constant 0 : i32
          %dma_wait3A_177 = tpu.memref_slice %arg20[%dma_wait3A, %dma_wait3A_175, %dma_wait3A_176] : memref<520x16x128xf32, #tpu.memory_space<vmem_shared>> -> memref<4x16x128xf32, #tpu.memory_space<vmem_shared>>
          %dma_wait3A_178 = arith.constant 512 : i32
          %dma_wait3A_179 = arith.constant 0 : i32
          %dma_wait3A_180 = arith.constant 0 : i32
          %dma_wait3A_181 = tpu.memref_slice %arg20[%dma_wait3A_178, %dma_wait3A_179, %dma_wait3A_180] : memref<520x16x128xf32, #tpu.memory_space<vmem_shared>> -> memref<4x16x128xf32, #tpu.memory_space<vmem_shared>>
          tpu.wait_dma2 semaphore(%run_scoped3A : memref<!tpu.dma_semaphore, #tpu.memory_space<semaphore_mem>>) src(%arg17 : memref<4x16x128xf32, #tpu.memory_space<vmem>>) dst(%dma_wait3A_181 : memref<4x16x128xf32, #tpu.memory_space<vmem_shared>>)
          tpu.yield
        }) : () -> ()
        "tpu.region"() ({
          %run_scoped3A = tpu.sem_alloc : memref<!tpu.dma_semaphore, #tpu.memory_space<semaphore_mem>>
          %dma_start3A = arith.constant 516 : i32
          %dma_start3A_168 = arith.constant 0 : i32
          %dma_start3A_169 = arith.constant 0 : i32
          %dma_start3A_170 = tpu.memref_slice %arg20[%dma_start3A, %dma_start3A_168, %dma_start3A_169] : memref<520x16x128xf32, #tpu.memory_space<vmem_shared>> -> memref<4x16x128xf32, #tpu.memory_space<vmem_shared>>
          %dma_start3A_171 = arith.constant 516 : i32
          %dma_start3A_172 = arith.constant 0 : i32
          %dma_start3A_173 = arith.constant 0 : i32
          %dma_start3A_174 = tpu.memref_slice %arg20[%dma_start3A_171, %dma_start3A_172, %dma_start3A_173] : memref<520x16x128xf32, #tpu.memory_space<vmem_shared>> -> memref<4x16x128xf32, #tpu.memory_space<vmem_shared>>
          tpu.enqueue_dma source(%arg17 : memref<4x16x128xf32, #tpu.memory_space<vmem>>) target(%dma_start3A_174 : memref<4x16x128xf32, #tpu.memory_space<vmem_shared>>) target_semaphore(%run_scoped3A : memref<!tpu.dma_semaphore, #tpu.memory_space<semaphore_mem>>)
          %dma_wait3A = arith.constant 516 : i32
          %dma_wait3A_175 = arith.constant 0 : i32
          %dma_wait3A_176 = arith.constant 0 : i32
          %dma_wait3A_177 = tpu.memref_slice %arg20[%dma_wait3A, %dma_wait3A_175, %dma_wait3A_176] : memref<520x16x128xf32, #tpu.memory_space<vmem_shared>> -> memref<4x16x128xf32, #tpu.memory_space<vmem_shared>>
          %dma_wait3A_178 = arith.constant 516 : i32
          %dma_wait3A_179 = arith.constant 0 : i32
          %dma_wait3A_180 = arith.constant 0 : i32
          %dma_wait3A_181 = tpu.memref_slice %arg20[%dma_wait3A_178, %dma_wait3A_179, %dma_wait3A_180] : memref<520x16x128xf32, #tpu.memory_space<vmem_shared>> -> memref<4x16x128xf32, #tpu.memory_space<vmem_shared>>
          tpu.wait_dma2 semaphore(%run_scoped3A : memref<!tpu.dma_semaphore, #tpu.memory_space<semaphore_mem>>) src(%arg17 : memref<4x16x128xf32, #tpu.memory_space<vmem>>) dst(%dma_wait3A_181 : memref<4x16x128xf32, #tpu.memory_space<vmem_shared>>)
          tpu.yield
        }) : () -> ()
        "tpu.region"() ({
          %run_scoped3A = tpu.sem_alloc : memref<!tpu.dma_semaphore, #tpu.memory_space<semaphore_mem>>
          %dma_start3A = arith.constant 0 : i32
          %dma_start3A_168 = arith.constant 0 : i32
          %dma_start3A_169 = tpu.memref_slice %arg18[%dma_start3A, %dma_start3A_168] : memref<32x128xf32, #tpu.memory_space<vmem>> -> memref<8x128xf32, #tpu.memory_space<vmem>>
          %dma_start3A_170 = arith.constant 512 : i32
          %dma_start3A_171 = arith.constant 0 : i32
          %dma_start3A_172 = tpu.memref_slice %arg21[%dma_start3A_170, %dma_start3A_171] : memref<520x128xf32, #tpu.memory_space<vmem_shared>> -> memref<8x128xf32, #tpu.memory_space<vmem_shared>>
          %dma_start3A_173 = arith.constant 512 : i32
          %dma_start3A_174 = arith.constant 0 : i32
          %dma_start3A_175 = tpu.memref_slice %arg21[%dma_start3A_173, %dma_start3A_174] : memref<520x128xf32, #tpu.memory_space<vmem_shared>> -> memref<8x128xf32, #tpu.memory_space<vmem_shared>>
          %dma_start3A_176 = arith.constant 0 : i32
          %dma_start3A_177 = arith.constant 0 : i32
          %dma_start3A_178 = tpu.memref_slice %arg18[%dma_start3A_176, %dma_start3A_177] : memref<32x128xf32, #tpu.memory_space<vmem>> -> memref<8x128xf32, #tpu.memory_space<vmem>>
          tpu.enqueue_dma source(%dma_start3A_178 : memref<8x128xf32, #tpu.memory_space<vmem>>) target(%dma_start3A_175 : memref<8x128xf32, #tpu.memory_space<vmem_shared>>) target_semaphore(%run_scoped3A : memref<!tpu.dma_semaphore, #tpu.memory_space<semaphore_mem>>)
          %dma_wait3A = arith.constant 0 : i32
          %dma_wait3A_179 = arith.constant 0 : i32
          %dma_wait3A_180 = tpu.memref_slice %arg18[%dma_wait3A, %dma_wait3A_179] : memref<32x128xf32, #tpu.memory_space<vmem>> -> memref<8x128xf32, #tpu.memory_space<vmem>>
          %dma_wait3A_181 = arith.constant 512 : i32
          %dma_wait3A_182 = arith.constant 0 : i32
          %dma_wait3A_183 = tpu.memref_slice %arg21[%dma_wait3A_181, %dma_wait3A_182] : memref<520x128xf32, #tpu.memory_space<vmem_shared>> -> memref<8x128xf32, #tpu.memory_space<vmem_shared>>
          %dma_wait3A_184 = arith.constant 512 : i32
          %dma_wait3A_185 = arith.constant 0 : i32
          %dma_wait3A_186 = tpu.memref_slice %arg21[%dma_wait3A_184, %dma_wait3A_185] : memref<520x128xf32, #tpu.memory_space<vmem_shared>> -> memref<8x128xf32, #tpu.memory_space<vmem_shared>>
          %dma_wait3A_187 = arith.constant 0 : i32
          %dma_wait3A_188 = arith.constant 0 : i32
          %dma_wait3A_189 = tpu.memref_slice %arg18[%dma_wait3A_187, %dma_wait3A_188] : memref<32x128xf32, #tpu.memory_space<vmem>> -> memref<8x128xf32, #tpu.memory_space<vmem>>
          tpu.wait_dma2 semaphore(%run_scoped3A : memref<!tpu.dma_semaphore, #tpu.memory_space<semaphore_mem>>) src(%dma_wait3A_189 : memref<8x128xf32, #tpu.memory_space<vmem>>) dst(%dma_wait3A_186 : memref<8x128xf32, #tpu.memory_space<vmem_shared>>)
          tpu.yield
        }) : () -> ()
      } else {
      }
      %barrier3A_167 = arith.constant 0 : index
      tpu.barrier barrier_id(%barrier3A_167)
    }
    %scan3A_50 = arith.constant 16 : i32
    return
  }
}

module attributes {stable_mosaic.version = 14 : i64} {
  func.func @_pool_mlp_body(%arg0: i32, %arg1: memref<512x16x128xf32, #tpu.memory_space<vmem>>, %arg2: memref<512x128xf32, #tpu.memory_space<vmem>>, %arg3: memref<1x16xf32, #tpu.memory_space<vmem>>, %arg4: memref<128x128xf32, #tpu.memory_space<vmem>>, %arg5: memref<1x128xf32, #tpu.memory_space<vmem>>, %arg6: memref<128x512xf32, #tpu.memory_space<vmem>>, %arg7: memref<1x512xf32, #tpu.memory_space<vmem>>, %arg8: memref<512x512xf32, #tpu.memory_space<vmem>>) attributes {dimension_semantics = [#tpu.dimension_semantics<arbitrary>], iteration_bounds = array<i64: 32>, scalar_prefetch = 0 : i64, scratch_operands = 0 : i64, tpu.core_type = #tpu.core_type<tc>, window_params = [{transform_indices = @transform_0, window_bounds = array<i64: 512, 16, 128>}, {transform_indices = @transform_1, window_bounds = array<i64: 512, 128>}, {pipeline_mode = #tpu.pipeline_mode<synchronous>, transform_indices = @transform_2, window_bounds = array<i64: 1, 16>}, {pipeline_mode = #tpu.pipeline_mode<synchronous>, transform_indices = @transform_3, window_bounds = array<i64: 128, 128>}, {pipeline_mode = #tpu.pipeline_mode<synchronous>, transform_indices = @transform_4, window_bounds = array<i64: 1, 128>}, {pipeline_mode = #tpu.pipeline_mode<synchronous>, transform_indices = @transform_5, window_bounds = array<i64: 128, 512>}, {pipeline_mode = #tpu.pipeline_mode<synchronous>, transform_indices = @transform_6, window_bounds = array<i64: 1, 512>}, {transform_indices = @transform_7, window_bounds = array<i64: 512, 512>}]} {
    %get3A = arith.constant 0 : index
    %get3A_0 = arith.constant 0 : index
    %get3A_1 = vector.load %arg3[%get3A, %get3A_0] : memref<1x16xf32, #tpu.memory_space<vmem>>, vector<1x16xf32>
    %reduce_max3A = arith.constant dense<0xFF800000> : vector<1xf32>
    %reduce_max3A_2 = vector.multi_reduction <maximumf>, %get3A_1, %reduce_max3A [1] : vector<1x16xf32> to vector<1xf32>
    %broadcast_in_dim3A = vector.shape_cast %reduce_max3A_2 : vector<1xf32> to vector<1x1xf32>
    %sub3A = vector.broadcast %broadcast_in_dim3A : vector<1x1xf32> to vector<1x16xf32>
    %sub3A_3 = arith.subf %get3A_1, %sub3A : vector<1x16xf32>
    %exp3A = math.exp %sub3A_3 : vector<1x16xf32>
    %reduce_sum3A = arith.constant dense<0.000000e+00> : vector<1xf32>
    %reduce_sum3A_4 = vector.multi_reduction <add>, %exp3A, %reduce_sum3A [1] : vector<1x16xf32> to vector<1xf32>
    %broadcast_in_dim3A_5 = vector.shape_cast %reduce_sum3A_4 : vector<1xf32> to vector<1x1xf32>
    %div3A = vector.broadcast %broadcast_in_dim3A_5 : vector<1x1xf32> to vector<1x16xf32>
    %div3A_6 = arith.divf %exp3A, %div3A : vector<1x16xf32>
    %get3A_7 = arith.constant 0 : index
    %get3A_8 = arith.constant 0 : index
    %get3A_9 = vector.load %arg2[%get3A_7, %get3A_8] : memref<512x128xf32, #tpu.memory_space<vmem>>, vector<512x128xf32>
    %slice3A = vector.extract_strided_slice %get3A_9 {offsets = [0, 0], sizes = [512, 16], strides = [1, 1]} : vector<512x128xf32> to vector<512x16xf32>
    %gt3A = arith.constant 0.000000e+00 : f32
    %gt3A_10 = vector.broadcast %gt3A : f32 to vector<512x16xf32>
    %gt3A_11 = arith.cmpf ogt, %slice3A, %gt3A_10 : vector<512x16xf32>
    %convert_element_type3A = arith.extui %gt3A_11 : vector<512x16xi1> to vector<512x16xi32>
    %convert_element_type3A_12 = arith.sitofp %convert_element_type3A : vector<512x16xi32> to vector<512x16xf32>
    %mul3A = vector.broadcast %div3A_6 : vector<1x16xf32> to vector<512x16xf32>
    %mul3A_13 = arith.mulf %convert_element_type3A_12, %mul3A : vector<512x16xf32>
    %get3A_14 = arith.constant 0 : index
    %get3A_15 = arith.constant 0 : index
    %get3A_16 = arith.constant 0 : index
    %get3A_17 = vector.load %arg1[%get3A_14, %get3A_15, %get3A_16] : memref<512x16x128xf32, #tpu.memory_space<vmem>>, vector<512x16x128xf32>
    %broadcast_in_dim3A_18 = vector.shape_cast %mul3A_13 : vector<512x16xf32> to vector<512x16x1xf32>
    %mul3A_19 = vector.broadcast %broadcast_in_dim3A_18 : vector<512x16x1xf32> to vector<512x16x128xf32>
    %mul3A_20 = arith.mulf %get3A_17, %mul3A_19 : vector<512x16x128xf32>
    %reduce_sum3A_21 = arith.constant dense<0.000000e+00> : vector<512x128xf32>
    %reduce_sum3A_22 = vector.multi_reduction <add>, %mul3A_20, %reduce_sum3A_21 [1] : vector<512x16x128xf32> to vector<512x128xf32>
    %get3A_23 = arith.constant 0 : index
    %get3A_24 = arith.constant 0 : index
    %get3A_25 = vector.load %arg4[%get3A_23, %get3A_24] : memref<128x128xf32, #tpu.memory_space<vmem>>, vector<128x128xf32>
    %dot_general3A = arith.constant dense<0.000000e+00> : vector<512x128xf32>
    %dot_general3A_26 = tpu.matmul %reduce_sum3A_22, %get3A_25, %dot_general3A {dimension_numbers = #tpu.dot_dimension_numbers<[1], [0], [0], [1], [0, 0, 1, 1], [], []>, transpose_lhs_hint = false} : vector<512x128xf32>, vector<128x128xf32>, vector<512x128xf32> -> vector<512x128xf32>
    %get3A_27 = arith.constant 0 : index
    %get3A_28 = arith.constant 0 : index
    %get3A_29 = vector.load %arg5[%get3A_27, %get3A_28] : memref<1x128xf32, #tpu.memory_space<vmem>>, vector<1x128xf32>
    %add3A = vector.broadcast %get3A_29 : vector<1x128xf32> to vector<512x128xf32>
    %add3A_30 = arith.addf %dot_general3A_26, %add3A : vector<512x128xf32>
    %ge3A = arith.constant 0.000000e+00 : f32
    %ge3A_31 = vector.broadcast %ge3A : f32 to vector<512x128xf32>
    %ge3A_32 = arith.cmpf oge, %add3A_30, %ge3A_31 : vector<512x128xf32>
    %mul3A_33 = arith.constant 0.00999999977 : f32
    %mul3A_34 = vector.broadcast %mul3A_33 : f32 to vector<512x128xf32>
    %mul3A_35 = arith.mulf %mul3A_34, %add3A_30 : vector<512x128xf32>
    %select_n3A = arith.select %ge3A_32, %add3A_30, %mul3A_35 : vector<512x128xi1>, vector<512x128xf32>
    %get3A_36 = arith.constant 0 : index
    %get3A_37 = arith.constant 0 : index
    %get3A_38 = vector.load %arg6[%get3A_36, %get3A_37] : memref<128x512xf32, #tpu.memory_space<vmem>>, vector<128x512xf32>
    %dot_general3A_39 = arith.constant dense<0.000000e+00> : vector<512x512xf32>
    %dot_general3A_40 = tpu.matmul %select_n3A, %get3A_38, %dot_general3A_39 {dimension_numbers = #tpu.dot_dimension_numbers<[1], [0], [0], [1], [0, 0, 1, 1], [], []>, transpose_lhs_hint = false} : vector<512x128xf32>, vector<128x512xf32>, vector<512x512xf32> -> vector<512x512xf32>
    %get3A_41 = arith.constant 0 : index
    %get3A_42 = arith.constant 0 : index
    %get3A_43 = vector.load %arg7[%get3A_41, %get3A_42] : memref<1x512xf32, #tpu.memory_space<vmem>>, vector<1x512xf32>
    %add3A_44 = vector.broadcast %get3A_43 : vector<1x512xf32> to vector<512x512xf32>
    %add3A_45 = arith.addf %dot_general3A_40, %add3A_44 : vector<512x512xf32>
    %swap3A = arith.constant 0 : index
    %swap3A_46 = arith.constant 0 : index
    %swap3A_47 = vector.load %arg8[%swap3A, %swap3A_46] : memref<512x512xf32, #tpu.memory_space<vmem>>, vector<512x512xf32>
    tpu.vector_store %arg8[%swap3A, %swap3A_46], %add3A_45 {strides = array<i32>} : memref<512x512xf32, #tpu.memory_space<vmem>>, vector<512x512xf32>,
    return
  }
  func.func @transform_0(%arg0: i32) -> (i32, i32, i32) {
    %c0_i32 = arith.constant 0 : i32
    %c0_i32_0 = arith.constant 0 : i32
    %c0_i32_1 = arith.constant 0 : i32
    return %arg0, %c0_i32, %c0_i32_0 : i32, i32, i32
  }
  func.func @transform_1(%arg0: i32) -> (i32, i32) {
    %c0_i32 = arith.constant 0 : i32
    %c0_i32_0 = arith.constant 0 : i32
    return %arg0, %c0_i32 : i32, i32
  }
  func.func @transform_2(%arg0: i32) -> (i32, i32) {
    %c0_i32 = arith.constant 0 : i32
    %c0_i32_0 = arith.constant 0 : i32
    %c0_i32_1 = arith.constant 0 : i32
    return %c0_i32, %c0_i32_0 : i32, i32
  }
  func.func @transform_3(%arg0: i32) -> (i32, i32) {
    %c0_i32 = arith.constant 0 : i32
    %c0_i32_0 = arith.constant 0 : i32
    %c0_i32_1 = arith.constant 0 : i32
    return %c0_i32, %c0_i32_0 : i32, i32
  }
  func.func @transform_4(%arg0: i32) -> (i32, i32) {
    %c0_i32 = arith.constant 0 : i32
    %c0_i32_0 = arith.constant 0 : i32
    %c0_i32_1 = arith.constant 0 : i32
    return %c0_i32, %c0_i32_0 : i32, i32
  }
  func.func @transform_5(%arg0: i32) -> (i32, i32) {
    %c0_i32 = arith.constant 0 : i32
    %c0_i32_0 = arith.constant 0 : i32
    %c0_i32_1 = arith.constant 0 : i32
    return %c0_i32, %c0_i32_0 : i32, i32
  }
  func.func @transform_6(%arg0: i32) -> (i32, i32) {
    %c0_i32 = arith.constant 0 : i32
    %c0_i32_0 = arith.constant 0 : i32
    %c0_i32_1 = arith.constant 0 : i32
    return %c0_i32, %c0_i32_0 : i32, i32
  }
  func.func @transform_7(%arg0: i32) -> (i32, i32) {
    %c0_i32 = arith.constant 0 : i32
    %c0_i32_0 = arith.constant 0 : i32
    return %arg0, %c0_i32 : i32, i32
  }
}

module attributes {stable_mosaic.version = 14 : i64} {
  func.func @_table_transform_body(%arg0: i32, %arg1: memref<1000x16x128xf32, #tpu.memory_space<vmem>>, %arg2: memref<128x128xf32, #tpu.memory_space<vmem>>, %arg3: memref<1x128xf32, #tpu.memory_space<vmem>>, %arg4: memref<1000x16x128xf32, #tpu.memory_space<vmem>>, %arg5: memref<1000x128xf32, #tpu.memory_space<vmem>>) attributes {dimension_semantics = [#tpu.dimension_semantics<arbitrary>], iteration_bounds = array<i64: 20>, scalar_prefetch = 0 : i64, scratch_operands = 0 : i64, tpu.core_type = #tpu.core_type<tc>, window_params = [{transform_indices = @transform_0, window_bounds = array<i64: 1000, 16, 128>}, {pipeline_mode = #tpu.pipeline_mode<synchronous>, transform_indices = @transform_1, window_bounds = array<i64: 128, 128>}, {pipeline_mode = #tpu.pipeline_mode<synchronous>, transform_indices = @transform_2, window_bounds = array<i64: 1, 128>}, {transform_indices = @transform_3, window_bounds = array<i64: 1000, 16, 128>}, {transform_indices = @transform_4, window_bounds = array<i64: 1000, 128>}]} {
    %get3A = arith.constant 0 : index
    %get3A_0 = arith.constant 0 : index
    %get3A_1 = arith.constant 0 : index
    %get3A_2 = vector.load %arg1[%get3A, %get3A_0, %get3A_1] : memref<1000x16x128xf32, #tpu.memory_space<vmem>>, vector<1000x16x128xf32>
    %reshape3A = vector.shape_cast %get3A_2 : vector<1000x16x128xf32> to vector<16000x128xf32>
    %get3A_3 = arith.constant 0 : index
    %get3A_4 = arith.constant 0 : index
    %get3A_5 = vector.load %arg2[%get3A_3, %get3A_4] : memref<128x128xf32, #tpu.memory_space<vmem>>, vector<128x128xf32>
    %dot_general3A = arith.constant dense<0.000000e+00> : vector<16000x128xf32>
    %dot_general3A_6 = tpu.matmul %reshape3A, %get3A_5, %dot_general3A {dimension_numbers = #tpu.dot_dimension_numbers<[1], [0], [0], [1], [0, 0, 1, 1], [], []>, transpose_lhs_hint = false} : vector<16000x128xf32>, vector<128x128xf32>, vector<16000x128xf32> -> vector<16000x128xf32>
    %get3A_7 = arith.constant 0 : index
    %get3A_8 = arith.constant 0 : index
    %get3A_9 = vector.load %arg3[%get3A_7, %get3A_8] : memref<1x128xf32, #tpu.memory_space<vmem>>, vector<1x128xf32>
    %add3A = vector.broadcast %get3A_9 : vector<1x128xf32> to vector<16000x128xf32>
    %add3A_10 = arith.addf %dot_general3A_6, %add3A : vector<16000x128xf32>
    %ge3A = arith.constant 0.000000e+00 : f32
    %ge3A_11 = vector.broadcast %ge3A : f32 to vector<16000x128xf32>
    %ge3A_12 = arith.cmpf oge, %add3A_10, %ge3A_11 : vector<16000x128xf32>
    %mul3A = arith.constant 0.00999999977 : f32
    %mul3A_13 = vector.broadcast %mul3A : f32 to vector<16000x128xf32>
    %mul3A_14 = arith.mulf %mul3A_13, %add3A_10 : vector<16000x128xf32>
    %select_n3A = arith.select %ge3A_12, %add3A_10, %mul3A_14 : vector<16000x128xi1>, vector<16000x128xf32>
    %reshape3A_15 = vector.shape_cast %select_n3A : vector<16000x128xf32> to vector<1000x16x128xf32>
    %swap3A = arith.constant 0 : index
    %swap3A_16 = arith.constant 0 : index
    %swap3A_17 = arith.constant 0 : index
    %swap3A_18 = vector.load %arg4[%swap3A, %swap3A_16, %swap3A_17] : memref<1000x16x128xf32, #tpu.memory_space<vmem>>, vector<1000x16x128xf32>
    tpu.vector_store %arg4[%swap3A, %swap3A_16, %swap3A_17], %reshape3A_15 {strides = array<i32>} : memref<1000x16x128xf32, #tpu.memory_space<vmem>>, vector<1000x16x128xf32>,
    %reduce_sum3A = arith.constant dense<0.000000e+00> : vector<1000x16xf32>
    %reduce_sum3A_19 = vector.multi_reduction <add>, %get3A_2, %reduce_sum3A [2] : vector<1000x16x128xf32> to vector<1000x16xf32>
    %ne3A = arith.constant 0.000000e+00 : f32
    %ne3A_20 = vector.broadcast %ne3A : f32 to vector<1000x16xf32>
    %ne3A_21 = arith.cmpf one, %reduce_sum3A_19, %ne3A_20 : vector<1000x16xf32>
    %convert_element_type3A = arith.extui %ne3A_21 : vector<1000x16xi1> to vector<1000x16xi32>
    %convert_element_type3A_22 = arith.sitofp %convert_element_type3A : vector<1000x16xi32> to vector<1000x16xf32>
    %broadcast_in_dim3A = arith.constant 0.000000e+00 : f32
    %broadcast_in_dim3A_23 = vector.broadcast %broadcast_in_dim3A : f32 to vector<1000x112xf32>
    %concatenate3A = tpu.concatenate %convert_element_type3A_22, %broadcast_in_dim3A_23 in 1 : vector<1000x16xf32>, vector<1000x112xf32> -> vector<1000x128xf32>
    %swap3A_24 = arith.constant 0 : index
    %swap3A_25 = arith.constant 0 : index
    %swap3A_26 = vector.load %arg5[%swap3A_24, %swap3A_25] : memref<1000x128xf32, #tpu.memory_space<vmem>>, vector<1000x128xf32>
    tpu.vector_store %arg5[%swap3A_24, %swap3A_25], %concatenate3A {strides = array<i32>} : memref<1000x128xf32, #tpu.memory_space<vmem>>, vector<1000x128xf32>,
    return
  }
  func.func @transform_0(%arg0: i32) -> (i32, i32, i32) {
    %c0_i32 = arith.constant 0 : i32
    %c0_i32_0 = arith.constant 0 : i32
    %c0_i32_1 = arith.constant 0 : i32
    return %arg0, %c0_i32, %c0_i32_0 : i32, i32, i32
  }
  func.func @transform_1(%arg0: i32) -> (i32, i32) {
    %c0_i32 = arith.constant 0 : i32
    %c0_i32_0 = arith.constant 0 : i32
    %c0_i32_1 = arith.constant 0 : i32
    return %c0_i32, %c0_i32_0 : i32, i32
  }
  func.func @transform_2(%arg0: i32) -> (i32, i32) {
    %c0_i32 = arith.constant 0 : i32
    %c0_i32_0 = arith.constant 0 : i32
    %c0_i32_1 = arith.constant 0 : i32
    return %c0_i32, %c0_i32_0 : i32, i32
  }
  func.func @transform_3(%arg0: i32) -> (i32, i32, i32) {
    %c0_i32 = arith.constant 0 : i32
    %c0_i32_0 = arith.constant 0 : i32
    %c0_i32_1 = arith.constant 0 : i32
    return %arg0, %c0_i32, %c0_i32_0 : i32, i32, i32
  }
  func.func @transform_4(%arg0: i32) -> (i32, i32) {
    %c0_i32 = arith.constant 0 : i32
    %c0_i32_0 = arith.constant 0 : i32
    return %arg0, %c0_i32 : i32, i32
  }
}

</mosaic_0001>

<sc_bundles>
// kernel: kernel.5.cloned.1.call-start
scs
__scs_entry_jumppad:
0x0: {  	(pc) =	sbr.rel $0x88, $3  }
0x1: {  	(tag) =	ssettag $0x0;
	lr =	simm.s32 $0x1  }
0x2: {  	[smem:$0x3F97] =	sst lr;
	_ =	strace $0xD0000000  }
0x3: {  	_ = 	snop  }
0x4: {  	_ = 	snop  }
0x5: {  	_ = 	snop  }
0x6: {  	_ = 	snop  }
0x7: {  	_ = 	snop  }
__scs_overlays_trampoline_lowered:
0x8: {  	[smem:$0x3FA6] =	sst s0  }
0x9: {  	[smem:$0x3FA7] =	sst s1  }
0xa: {  	[smem:$0x3FA8] =	sst s2  }
0xb: {  	[smem:$0x3FA9] =	sst s3  }
0xc: {  	[smem:$0x3FAA] =	sst s4  }
0xd: {  	[smem:$0x3FAB] =	sst s5  }
0xe: {  	[smem:$0x3FAC] =	sst s6  }
0xf: {  	[smem:$0x3FAD] =	sst s7  }
0x10: {  	[smem:$0x3FAE] =	sst s8  }
0x11: {  	[smem:$0x3FAF] =	sst s9;
	s0 =	simm.s32 @!p0 $0x0  }
0x12: {  	s1 =	sld [smem:$0x3F95];
	s0 =	simm.s32 @p0 $0x1  }
0x13: {  	[smem:$0x3FB0] =	sst s0;
	s0 =	simm.s32 @!p1 $0x0  }
0x14: {  	s2 =	sld [smem:$0x3F94];
	s0 =	simm.s32 @p1 $0x1  }
0x15: {  	[smem:$0x3FB1] =	sst s0;
	s0 =	simm.s32 @!p2 $0x0  }
0x16: {  	s3 =	sld [smem:$0x3FDB];
	s0 =	simm.s32 @p2 $0x1  }
0x17: {  	s4 =	simm.s32 $0x1BF5;
	[smem:$0x3FB3] =	sst s0  }
0x18: {  	s0 =	sld [smem:$0x3F96];
	_ =	swait.ge [sflag:s4], $0x0  }
0x19: {  	s7 =	sld [smem:$0x3F97]  }
0x1a: {  	s8 =	sadd.s32 $0xFFFFE003, lr  }
0x1b: {  	s9 =	sadd.s32 $0xFFFFFEF7, lr;
	s5 =	simm.s32 $0xFFFFFFFF;
	p2 =	slt.u32 s8, $0xFFFFF086  }
0x1c: {  	p1 =	slt.u32 s9, $0xF7A;
	s5 =	simm.s32 @!p2 $0x0  }
0x1d: {  	s5 =	simm.s32 @p1 $0x1;
	p0 =	seq.s32 s7, s2  }
0x1e: {  	s7 =	smul.u32 @!p0 $0xF7A, s2;
	p2 =	seq.s32 @!p0 s5, $0x0  }
0x1f: {  	s9 =	smul.u32 $0xF7A, s1;
	s8 =	simm.s32 @!p0 $0x1BF5;
	p2 =	por !p2, p0  }
0x20: {  	[sflag:s8] =	ssyncset.s32 @!p0 $0xFFFFF086;
	s6 =	sadd.s32 @!p0 s3, s7;
	s7 =	simm.s32 @!p0 $0x108  }
0x21: {  	s3 =	sadd.s32 s3, s9;
	s6 =	sadd.s32 @!p0 $0x88, s6;
	s7 =	simm.s32 @p2 $0x1082  }
0x22: {  	[simem:s7], [sflag:s8] =	dma.local @!p0 [hbm:s6], $0xF7A  }
0x23: {  	s9 =	sor.u32 $0xD0000000, s2;
	s6 =	simm.s32 $0x108;
	_ =	swait.ge @!p0 [sflag:s8], $0x0  }
0x24: {  	s3 =	sadd.s32 $0x88, s3;
	s6 =	simm.s32 @!p1 $0x1082;
	[sflag:s4] =	ssyncset.s32 $0xFFFFF086  }
0x25: {  	[simem:s6], [sflag:s4] =	dma.local [hbm:s3], $0xF7A  }
0x26: {  	[smem:$0x3F97] =	sst s1;
	(tag) =	ssettag s2;
	_ =	strace s9  }
0x27: {  	s1 =	sld [smem:$0x3FA7]  }
0x28: {  	s2 =	sld [smem:$0x3FA8]  }
0x29: {  	s4 =	sld [smem:$0x3FAA]  }
0x2a: {  	p0 =	seq.s32 s5, $0x0;
	s5 =	sld [smem:$0x3FAB]  }
0x2b: {  	s6 =	sld [smem:$0x3FAC]  }
0x2c: {  	s7 =	sld [smem:$0x3FAD]  }
0x2d: {  	s3 =	simm.s32 $0x108;
	s8 =	sld [smem:$0x3FAE]  }
0x2e: {  	s3 =	simm.s32 @!p0 $0x1082;
	s9 =	sld [smem:$0x3FAF]  }
0x2f: {  	lr =	sadd.s32 s0, s3;
	s0 =	sld [smem:$0x3FA6]  }
0x30: {  	s3 =	sld [smem:$0x3FA9]  }
0x31: {  	[smem:$0x3FB2] =	sst s10  }
0x32: {  	s10 =	sld [smem:$0x3FB0];
	_ =	sdelay $0x3  }
0x33: {  	p0 =	seq.s32 s10, $0x1;
	s10 =	sld [smem:$0x3FB2];
	_ =	sdelay $0x3  }
0x34: {  	[smem:$0x3FB2] =	sst s10  }
0x35: {  	s10 =	sld [smem:$0x3FB1];
	_ =	sdelay $0x3  }
0x36: {  	p1 =	seq.s32 s10, $0x1;
	s10 =	sld [smem:$0x3FB2];
	_ =	sdelay $0x3  }
0x37: {  	[smem:$0x3FB2] =	sst s10  }
0x38: {  	s10 =	sld [smem:$0x3FB3]  }
0x39: {  	_ = 	snop;
	(pc) =	sbr.ind lr, $3  }
0x3a: {  	_ = 	snop  }
0x3b: {  	_ = 	snop  }
0x3c: {  	p2 =	seq.s32 s10, $0x1;
	s10 =	sld [smem:$0x3FB2]  }
0x3d: {  	_ =	shalt  }
0x3e: {  	_ =	shalt  }
0x3f: {  	_ =	shalt  }
0x40: {  	_ =	shalt  }
0x41: {  	_ =	shalt  }
0x42: {  	_ =	shalt  }
0x43: {  	_ =	shalt  }
0x44: {  	_ =	shalt  }
0x45: {  	_ =	shalt  }
0x46: {  	_ =	shalt  }
0x47: {  	_ =	shalt  }
0x48: {  	_ =	shalt  }
0x49: {  	_ =	shalt  }
0x4a: {  	_ =	shalt  }
0x4b: {  	_ =	shalt  }
0x4c: {  	_ =	shalt  }
0x4d: {  	_ =	shalt  }
0x4e: {  	_ =	shalt  }
0x4f: {  	_ =	shalt  }
0x50: {  	_ =	shalt  }
0x51: {  	_ =	shalt  }
0x52: {  	_ =	shalt  }
0x53: {  	_ =	shalt  }
0x54: {  	_ =	shalt  }
0x55: {  	_ =	shalt  }
0x56: {  	_ =	shalt  }
0x57: {  	_ =	shalt  }
0x58: {  	_ =	shalt  }
0x59: {  	_ =	shalt  }
0x5a: {  	_ =	shalt  }
0x5b: {  	_ =	shalt  }
0x5c: {  	_ =	shalt  }
0x5d: {  	_ =	shalt  }
0x5e: {  	_ =	shalt  }
0x5f: {  	_ =	shalt  }
0x60: {  	_ =	shalt  }
0x61: {  	_ =	shalt  }
0x62: {  	_ =	shalt  }
0x63: {  	_ =	shalt  }
0x64: {  	_ =	shalt  }
0x65: {  	_ =	shalt  }
0x66: {  	_ =	shalt  }
0x67: {  	_ =	shalt  }
0x68: {  	_ =	shalt  }
0x69: {  	_ =	shalt  }
0x6a: {  	_ =	shalt  }
0x6b: {  	_ =	shalt  }
0x6c: {  	_ =	shalt  }
0x6d: {  	_ =	shalt  }
0x6e: {  	_ =	shalt  }
0x6f: {  	_ =	shalt  }
0x70: {  	_ =	shalt  }
0x71: {  	_ =	shalt  }
0x72: {  	_ =	shalt  }
0x73: {  	_ =	shalt  }
0x74: {  	_ =	shalt  }
0x75: {  	_ =	shalt  }
0x76: {  	_ =	shalt  }
0x77: {  	_ =	shalt  }
0x78: {  	_ =	shalt  }
0x79: {  	_ =	shalt  }
0x7a: {  	_ =	shalt  }
0x7b: {  	_ =	shalt  }
0x7c: {  	_ =	shalt  }
0x7d: {  	_ =	shalt  }
0x7e: {  	_ =	shalt  }
0x7f: {  	_ =	shalt  }
0x80: {  	_ =	shalt  }
0x81: {  	_ =	shalt  }
0x82: {  	_ =	shalt  }
0x83: {  	_ =	shalt  }
0x84: {  	_ =	shalt  }
0x85: {  	_ =	shalt  }
0x86: {  	_ =	shalt  }
0x87: {  	_ =	shalt  }
.Lfunc_end0:
.L_simem_size_0:
called_computation_lowered:
.L_overlay_start_0:
0x88: {  	s2 =	sld [smem:$0x3FD9]  }
0x89: {  	s3 =	sld [smem:$0x3FFE];
	_ =	sdelay $0x1  }
0x8a: {  	s1 =	srdreg.scid  }
0x8b: {  	s0 =	sand.u32 $0x1, s1  }
0x8c: {  	s14 =	sshll.u32 s0, $0xA;
	s2 =	sadd.s32 s3, s2  }
0x8d: {  	s2 =	sadd.s32 s2, s14  }
0x8e: {  	[smem:$0x3FBE] =	sst s2  }
0x8f: {  	_ = 	snop  }
0x90: {  	s2 =	sld [smem:$0x3FD0];
	_ =	sdelay $0x2  }
0x91: {  	s15 =	simm.s32 $0xA;
	s4 =	simm.s32 $0x10  }
0x92: {  	[smem:s4], [sflag:s15] =	dma.local [hbm:s2], $0x1  }
0x93: {  	_ =	swait.eq [sflag:s15], $0x1  }
0x94: {  	[sflag:s15] =	ssyncset.done $0x0  }
0x95: {  	s16 =	sld [smem:$0x10];
	[sflag:s15] =	ssyncadd.s32 $0xFFFFFFFF  }
0x96: {  	s17 =	sld [smem:$0x11];
	(tm) =	ssettm $0x1  }
0x97: {  	s18 =	sld [smem:$0x3FFB];
	_ =	sdelay $0x3  }
0x98: {  	_ =	strace s18  }
0x99: {  	s4 =	sld [smem:$0x3FFC];
	_ =	sdelay $0x3  }
0x9a: {  	_ =	strace s4  }
0x9b: {  	s4 =	sld [smem:$0x3FFD];
	_ =	sdelay $0x3  }
0x9c: {  	_ =	strace s4  }
0x9d: {  	_ =	strace $0x8FFFFFFF  }
0x9e: {  	s19 =	sld [smem:$0x3FDB];
	_ =	sdelay $0x1  }
0x9f: {  	s5 =	simm.s32 $_scs_section_size  }
0xa0: {  	s6 =	simm.s32 $_size__tile_overlayer_lowered;
	s7 =	simm.s32 $_tile_overlayer_lowered  }
0xa1: {  	s22 =	simm.s32 $0x1BFF;
	s21 =	sshll.u32 s7, $0x1;
	s4 =	sadd.s32 s5, s19  }
0xa2: {  	s8 =	simm.s32 $0x0;
	s20 =	sshll.u32 s6, $0x1;
	s6 =	sadd.s32 s21, s4  }
0xa3: {  	[timem:s8], [sflag:s22] =	dma.local [hbm:s6], s20  }
0xa4: {  	_ =	swait.ge [sflag:s22], s20  }
0xa5: {  	s5 =	ssub.s32 $0x0, s20;
	[sflag:s22] =	ssyncset.done $0x0  }
0xa6: {  	[sflag:s22] =	ssyncadd.s32 s5;
	_ =	sdelay $0x1  }
0xa7: {  	s23 =	simm.s32 $0x1B8B  }
0xa8: {  	_ =	swait.ge [sflag:s23], $0x1  }
0xa9: {  	[sflag:s23] =	ssyncset.done $0x0  }
0xaa: {  	s25 =	simm.s32 $0x1B8E;
	s24 =	sld [smem:$0x3FFE];
	[sflag:s23] =	ssyncadd.s32 $0xFFFFFFFF  }
0xab: {  	s26 =	simm.s32 $execute0_lowered;
	[smem:$0x3FD2] =	sst s25  }
0xac: {  	s6 =	sshll.u32 s26, $0x1;
	_ =	strace $0x80000046;
	[dreg:$0x1] =	wrdreg $0xFFFFFFFF  }
0xad: {  	s28 =	simm.s32 $_size_execute0_lowered;
	s4 =	sadd.s32 s4, s6;
	[dreg:$0x0] =	wrdreg $0x0  }
0xae: {  	s6 =	sshll.u32 s28, $0x1;
	[dreg:$0x2] =	wrdreg s4  }
0xaf: {  	[dreg:$0x3] =	wrdreg s6  }
0xb0: {  	[dreg:$0x4] =	wrdreg $0xC0  }
0xb1: {  	_ =	task [dreg:s8], $0x5FFFF  }
0xb2: {  	[dreg:$0x1] =	wrdreg $0xFFFFFFFF  }
0xb3: {  	[dreg:$0x0] =	wrdreg $0x60  }
0xb4: {  	[dreg:$0x2] =	wrdreg s24  }
0xb5: {  	[dreg:$0x3] =	wrdreg s16  }
0xb6: {  	[dreg:$0x4] =	wrdreg s17  }
0xb7: {  	[dreg:$0x5] =	wrdreg $0xCA800  }
0xb8: {  	[dreg:$0x6] =	wrdreg $0x1CE800  }
0xb9: {  	[dreg:$0x7] =	wrdreg $0x9  }
0xba: {  	_ =	task.clear_ibuf [dreg:s8], $0x8FFFF;
	_ =	strace $0x90000046  }
0xbb: {  	s29 =	simm.s32 $0x9;
	_ =	strace $0x80000048  }
0xbc: {  	_ =	swait.ge [sflag:s29], $0x1  }
0xbd: {  	[sflag:s29] =	ssyncadd.s32 $0xFFFFFFFF  }
0xbe: {  	_ =	strace $0x90000048  }
0xbf: {  	_ =	sfence  }
0xc0: {  	s30 =	sld [smem:$0x0];
	_ =	sdelay $0x2  }
0xc1: {  	s31 =	sshll.u32 s1, $0xD;
	s1 =	sshrl.u32 s1, $0x2  }
0xc2: {  	s3 =	sand.u32 $0x4000, s31;
	s1 =	sadd.s32 s1, s30  }
0xc3: {  	s0 =	sor.u32 s3, s0;
	s1 =	sshll.u32 s1, $0x11  }
0xc4: {  	s0 =	sor.u32 s1, s0  }
0xc5: {  	s0 =	sadd.s32 $0x8F2B, s0  }
0xc6: {  	[sflag:s0] =	ssyncadd.remote.s32 $0x1  }
0xc7: {  	_ =	sfence.sel $0xFFFF  }
0xc8: {  	[dreg:$0x0] =	wrdreg $0xFFFFFFFF;
	(pc) =	sbr.abs _section_cstart, $3  }
0xc9: {  	[dreg:$0x1] =	wrdreg $0xFFFFFFFF  }
0xca: {  	_ =	task.clear_ibuf [dreg:s8], $0x2FFFF;
	_ =	strace $0x9FFFFFFF  }
0xcb: {  	(tm) =	ssettm $0x7FFFFFFF  }
tec
execute0_lowered:
.L_overlay_start_1:
0x0: {  	(tag) =	ssettag $0x1  }
0x1: {  	s0 =	rddreg [dreg:$0x0]  }
0x2: {  	s1 =	rddreg [dreg:$0x1]  }
0x3: {  	s3 =	rddreg [dreg:$0x3]  }
0x4: {  	s4 =	rddreg [dreg:$0x4];
	s5 =	simm.s32 $0x0;
	s2 =	srdreg.scid  }
0x5: {  	s9 =	stileid.u32;
	[smem:$0x7FF] =	sst s5;
	s6 =	sadd.s32 $0x4600, s0  }
0x6: {  	s7 =	sadd.s32 $0x2000, s0;
	s8 =	sadd.s32 $0x3200, s0;
	s11 =	sadd.s32 $0x4400, s0  }
0x7: {  	s0 =	sadd.s32 $0x4E6600, s0;
	_ =	strace $0x80000047;
	[dreg:$0x6] =	wrdreg s11  }
0x8: {  	s31 =	simm.s32 $0x5;
	s18 =	sshll.u32 s9, $0x5;
	[dreg:$0x7] =	wrdreg s0  }
0x9: {  	s30 =	simm.s32 $0x4;
	s26 =	sadd.s32 $0x100000, s3;
	[dreg:$0x9] =	wrdreg s18  }
0xa: {  	s13 =	simm.s32 $0x1000;
	s28 =	sadd.s32 $0x102000, s3;
	[dreg:$0x12] =	wrdreg s26  }
0xb: {  	s12 =	sshll.u32 s9, $0x10;
	s29 =	sadd.s32 $0x10000, s4;
	[dreg:$0x15] =	wrdreg s28  }
0xc: {  	s14 =	simm.s32 $0x9200;
	s17 =	sadd.s32 s12, s3;
	[dreg:$0x16] =	wrdreg s29  }
0xd: {  	s2 =	sand.u32 $0x1, s2;
	s19 =	sadd.s32 $0x2000, s17;
	[dreg:$0x8] =	wrdreg s17  }
0xe: {  	s25 =	sshll.u32 s9, $0xC;
	s20 =	sadd.s32 $0x4000, s17;
	[dreg:$0xa] =	wrdreg s19  }
0xf: {  	p0 =	sne.s32 s9, $0x0;
	s21 =	sadd.s32 $0x6000, s17;
	[dreg:$0xb] =	wrdreg s20  }
0x10: {  	s10 =	ssub.s32 $0x2, s2;
	s22 =	sadd.s32 $0x8000, s17;
	[dreg:$0xc] =	wrdreg s21  }
0x11: {  	s11 =	simm.s32 $0x10;
	s23 =	sadd.s32 $0xA000, s17;
	[dreg:$0xd] =	wrdreg s22  }
0x12: {  	s15 =	sshrl.u32 s10, $0x1;
	s24 =	sadd.s32 $0xC000, s17;
	[dreg:$0xe] =	wrdreg s23  }
0x13: {  	s18 =	simm.s32 $0x0;
	s16 =	ssub.s32 s10, s15;
	[dreg:$0xf] =	wrdreg s24  }
0x14: {  	s10 =	sadd.s32 $0xE000, s17;
	s15 =	sshll.u32 s2, $0x4;
	s21 =	sshll.u32 s9, $0x4  }
.Ltmp0:
0x15: {  	s24 =	simm.s32 $0x800;
	s2 =	simm.s32 $0x2;
	(pc) =	sbr.rel .LBB2_1-.Ltmp0, $4  }
0x16: {  	s23 =	simm.s32 $0x1200;
	[dreg:$0x10] =	wrdreg s10;
	s10 =	sadd.s32 s25, s4  }
0x17: {  	s0 =	smax.u32 s16, $0x1;
	s12 =	sor.u32 $0x800, s21;
	[dreg:$0x13] =	wrdreg s15  }
0x18: {  	v1 =	vmov s15;
	s15 =	simm.s32 $0x1100;
	s16 =	simm.s32 $0x3;
	[dreg:$0x11] =	wrdreg s10  }
0x19: {  	v0 =	vimm.f32 $0.0e+00;
	[dreg:$0x14] =	wrdreg s0;
	s0 =	simm.s32 $0x9A00;
	s10 =	simm.s32 $0x1  }
.LBB2_14:
0x1a: {  	s18 =	rddreg [dreg:$0x17]  }
0x1b: {  	s17 =	rddreg [dreg:$0x14];
	s18 =	sadd.s32 $0x1, s18  }
0x1c: {  	p1 =	sne.s32 s18, s17  }
.Ltmp1:
0x1d: {  	_ = 	snop;
	(pc) =	sbr.rel @!p1 .LBB2_15-.Ltmp1, $1  }
0x1e: {  	_ =	sdelay $0x3  }
.LBB2_1:
0x1f: {  	[dreg:$0x17] =	wrdreg s18  }
0x20: {  	s17 =	rddreg [dreg:$0x6];
	s29 =	simm.s32 $0xCA00  }
0x21: {  	[tilespmem:s29], [sflag:$0x5] =	stream.linear.gather [hbm4b:s17+s5], $0x80, $0x38;
	[tilespmem:$0x1DEC0] =	vst v63  }
0x22: {  	_ =	swait.ge [sflag:s31], $0x80  }
0x23: {  	[sflag:s31] =	ssyncset.done $0x0  }
0x24: {  	s18 =	simm.s32 $0x0;
	s17 =	simm.s32 $0x0;
	[sflag:s31] =	ssyncadd.s32 $0xFFFFFF80  }
.LBB2_2:
0x25: {  	p1 =	sne.s32 s18, $0x7FC0  }
.Ltmp2:
0x26: {  	s19 =	sand.u32 $0x6000, s18;
	(pc) =	sbr.rel @p1 .LBB2_2-.Ltmp2, $4  }
0x27: {  	s20 =	sand.u32 $0x780, s17;
	s19 =	sshrl.u32 s19, $0x2  }
0x28: {  	s22 =	sand.u32 $0x70, s17;
	s19 =	sor.u32 s20, s19  }
0x29: {  	s19 =	sor.u32 s22, s19  }
0x2a: {  	s17 =	sadd.s32 $0x10, s17;
	s18 =	sadd.s32 $0x40, s18;
	[tilespmem:s19+$0x9A00] =	vst v0  }
0x2b: {  	s17 =	simm.s32 $0x0  }
0x2c: {  	s18 =	sand.u32 $0x3E00, s17  }
0x2d: {  	s19 =	sand.u32 $0x70, s17;
	s20 =	sshrl.u32 s18, $0x2  }
0x2e: {  	s18 =	simm.s32 $0x40;
	s19 =	sor.u32 s19, s20  }
.LBB2_4:
0x2f: {  	p1 =	sne.s32 s18, $0x3FC0  }
0x30: {  	[tilespmem:s19+$0xBA00] =	vst v0;
	s17 =	sadd.s32 $0x10, s17;
	s19 =	smov.u32 s18;
	s18 =	sadd.s32 $0x40, s18  }
.Ltmp3:
0x31: {  	(pc) =	sbr.rel @p1 .LBB2_4-.Ltmp3, $4  }
0x32: {  	_ = 	snop  }
0x33: {  	s19 =	sand.u32 $0x3E00, s19  }
0x34: {  	s20 =	sand.u32 $0x70, s17;
	s19 =	sshrl.u32 s19, $0x2  }
0x35: {  	s19 =	sor.u32 s20, s19  }
0x36: {  	[tilespmem:s19+$0xBA00] =	vst v0;
	s17 =	rddreg [dreg:$0x8]  }
0x37: {  	[spmem:s17] =	stream.linear.scatter [tilespmem:s0], [sflag:$0x5], $0x2000, $0x38;
	[tilespmem:$0x1DEC0] =	vst v63  }
0x38: {  	_ =	swait.ge [sflag:s31], $0x2000  }
0x39: {  	[sflag:s31] =	ssyncset.done $0x0  }
0x3a: {  	s18 =	rddreg [dreg:$0xa];
	[sflag:s31] =	ssyncadd.s32 $0xFFFFE000  }
0x3b: {  	[spmem:s18] =	stream.linear.scatter [tilespmem:s0], [sflag:$0x5], $0x2000, $0x38;
	[tilespmem:$0x1DEC0] =	vst v63  }
0x3c: {  	_ =	swait.ge [sflag:s31], $0x2000  }
0x3d: {  	[sflag:s31] =	ssyncset.done $0x0  }
0x3e: {  	s19 =	rddreg [dreg:$0xb];
	[sflag:s31] =	ssyncadd.s32 $0xFFFFE000  }
0x3f: {  	[spmem:s19] =	stream.linear.scatter [tilespmem:s0], [sflag:$0x5], $0x2000, $0x38;
	[tilespmem:$0x1DEC0] =	vst v63  }
0x40: {  	_ =	swait.ge [sflag:s31], $0x2000  }
0x41: {  	[sflag:s31] =	ssyncset.done $0x0  }
0x42: {  	s20 =	rddreg [dreg:$0xc];
	[sflag:s31] =	ssyncadd.s32 $0xFFFFE000  }
0x43: {  	[spmem:s20] =	stream.linear.scatter [tilespmem:s0], [sflag:$0x5], $0x2000, $0x38;
	[tilespmem:$0x1DEC0] =	vst v63  }
0x44: {  	_ =	swait.ge [sflag:s31], $0x2000  }
0x45: {  	[sflag:s31] =	ssyncset.done $0x0  }
0x46: {  	s22 =	rddreg [dreg:$0xd];
	[sflag:s31] =	ssyncadd.s32 $0xFFFFE000  }
0x47: {  	[spmem:s22] =	stream.linear.scatter [tilespmem:s0], [sflag:$0x5], $0x2000, $0x38;
	[tilespmem:$0x1DEC0] =	vst v63  }
0x48: {  	_ =	swait.ge [sflag:s31], $0x2000  }
0x49: {  	[sflag:s31] =	ssyncset.done $0x0  }
0x4a: {  	s25 =	rddreg [dreg:$0xe];
	[sflag:s31] =	ssyncadd.s32 $0xFFFFE000  }
0x4b: {  	[spmem:s25] =	stream.linear.scatter [tilespmem:s0], [sflag:$0x5], $0x2000, $0x38;
	[tilespmem:$0x1DEC0] =	vst v63  }
0x4c: {  	_ =	swait.ge [sflag:s31], $0x2000  }
0x4d: {  	[sflag:s31] =	ssyncset.done $0x0  }
0x4e: {  	s26 =	rddreg [dreg:$0xf];
	[sflag:s31] =	ssyncadd.s32 $0xFFFFE000  }
0x4f: {  	[spmem:s26] =	stream.linear.scatter [tilespmem:s0], [sflag:$0x5], $0x2000, $0x38;
	[tilespmem:$0x1DEC0] =	vst v63  }
0x50: {  	_ =	swait.ge [sflag:s31], $0x2000  }
0x51: {  	[sflag:s31] =	ssyncset.done $0x0  }
0x52: {  	s28 =	rddreg [dreg:$0x10];
	[sflag:s31] =	ssyncadd.s32 $0xFFFFE000  }
0x53: {  	[spmem:s28] =	stream.linear.scatter [tilespmem:s0], [sflag:$0x5], $0x2000, $0x38;
	[tilespmem:$0x1DEC0] =	vst v63  }
0x54: {  	_ =	swait.ge [sflag:s31], $0x2000  }
0x55: {  	[sflag:s31] =	ssyncset.done $0x0  }
0x56: {  	s18 =	simm.s32 $0xBA00;
	s29 =	rddreg [dreg:$0x11];
	[sflag:s31] =	ssyncadd.s32 $0xFFFFE000  }
0x57: {  	[spmem:s29] =	stream.linear.scatter [tilespmem:s18], [sflag:$0x5], $0x1000, $0x38;
	[tilespmem:$0x1DEC0] =	vst v63  }
0x58: {  	_ =	swait.ge [sflag:s31], $0x1000  }
0x59: {  	[sflag:s31] =	ssyncset.done $0x0  }
0x5a: {  	s17 =	simm.s32 @!p0 $0x9A00;
	s18 =	rddreg [dreg:$0x12];
	[sflag:s31] =	ssyncadd.s32 $0xFFFFF000  }
0x5b: {  	[spmem:s18] =	stream.linear.scatter @!p0 [tilespmem:s17], [sflag:$0x5], $0x2000, $0x38;
	[tilespmem:$0x1DEC0] =	vst v63  }
0x5c: {  	s18 =	simm.s32 @!p0 $0x5  }
0x5d: {  	_ =	swait.ge @!p0 [sflag:s18], $0x2000  }
0x5e: {  	[sflag:s18] =	ssyncset.done @!p0 $0x0  }
0x5f: {  	s19 =	rddreg [dreg:$0x15];
	[sflag:s18] =	ssyncadd.s32 @!p0 $0xFFFFE000  }
0x60: {  	[spmem:s19] =	stream.linear.scatter @!p0 [tilespmem:s17], [sflag:$0x5], $0x2000, $0x38;
	[tilespmem:$0x1DEC0] =	vst v63  }
0x61: {  	_ =	swait.ge @!p0 [sflag:s18], $0x2000  }
0x62: {  	[sflag:s18] =	ssyncset.done @!p0 $0x0  }
0x63: {  	s17 =	simm.s32 @!p0 $0xBA00;
	s19 =	rddreg [dreg:$0x16];
	[sflag:s18] =	ssyncadd.s32 @!p0 $0xFFFFE000  }
0x64: {  	[spmem:s19] =	stream.linear.scatter @!p0 [tilespmem:s17], [sflag:$0x5], $0x400, $0x38;
	[tilespmem:$0x1DEC0] =	vst v63  }
.Ltmp4:
0x65: {  	_ =	swait.ge @!p0 [sflag:s18], $0x400;
	(pc) =	sbr.rel .LBB2_6-.Ltmp4, $4  }
0x66: {  	[sflag:s18] =	ssyncset.done @!p0 $0x0  }
0x67: {  	[sflag:s18] =	ssyncadd.s32 @!p0 $0xFFFFFC00  }
0x68: {  	[bflag:$0x0] =	sbarrier.arrive $0xFFFF  }
0x69: {  	s17 =	simm.s32 $0x0  }
.LBB2_13:
0x6a: {  	s18 =	rddreg [dreg:$0x9];
	[bflag:$0x0] =	sbarrier.arrive $0xFFFF  }
0x6b: {  	s18 =	sor.u32 s18, s22;
	s28 =	rddreg [dreg:$0x2]  }
0x6c: {  	s20 =	sshll.u32 s9, $0x6;
	s25 =	rddreg [dreg:$0x8];
	s19 =	sshll.u32 s18, $0x8  }
0x6d: {  	s20 =	sor.u32 $0x1C05, s20;
	s29 =	sshrl.u32 s25, $0x3;
	s19 =	sadd.s32 s28, s19  }
0x6e: {  	[hbm:s19], [sflag:s20] =	dma.local [spmem:s29], $0x2000  }
0x6f: {  	_ =	swait.ge [sflag:s31], $0x2000  }
0x70: {  	s18 =	sshll.u32 s18, $0x4;
	s22 =	rddreg [dreg:$0x7]  }
0x71: {  	[sflag:s31] =	ssyncset.done $0x0;
	s18 =	sadd.s32 s22, s18;
	s22 =	rddreg [dreg:$0x11]  }
0x72: {  	[sflag:s31] =	ssyncadd.s32 $0xFFFFE000;
	s26 =	sshrl.u32 s22, $0x3  }
0x73: {  	[hbm:s18], [sflag:s20] =	dma.local [spmem:s26], $0x200  }
0x74: {  	_ =	swait.ge [sflag:s31], $0x200  }
0x75: {  	[sflag:s31] =	ssyncset.done $0x0  }
0x76: {  	[sflag:s31] =	ssyncadd.s32 $0xFFFFFE00  }
0x77: {  	[spmem:s25] =	stream.linear.scatter [tilespmem:s0], [sflag:$0x5], $0x2000, $0x38;
	[tilespmem:$0x1DEC0] =	vst v63  }
0x78: {  	_ =	swait.ge [sflag:s31], $0x2000  }
0x79: {  	[sflag:s31] =	ssyncset.done $0x0  }
0x7a: {  	s28 =	rddreg [dreg:$0xa];
	[sflag:s31] =	ssyncadd.s32 $0xFFFFE000  }
0x7b: {  	[spmem:s28] =	stream.linear.scatter [tilespmem:s0], [sflag:$0x5], $0x2000, $0x38;
	[tilespmem:$0x1DEC0] =	vst v63  }
0x7c: {  	_ =	swait.ge [sflag:s31], $0x2000  }
0x7d: {  	[sflag:s31] =	ssyncset.done $0x0  }
0x7e: {  	s29 =	rddreg [dreg:$0xb];
	[sflag:s31] =	ssyncadd.s32 $0xFFFFE000  }
0x7f: {  	[spmem:s29] =	stream.linear.scatter [tilespmem:s0], [sflag:$0x5], $0x2000, $0x38;
	[tilespmem:$0x1DEC0] =	vst v63  }
0x80: {  	_ =	swait.ge [sflag:s31], $0x2000  }
0x81: {  	[sflag:s31] =	ssyncset.done $0x0  }
0x82: {  	s19 =	rddreg [dreg:$0xc];
	[sflag:s31] =	ssyncadd.s32 $0xFFFFE000  }
0x83: {  	[spmem:s19] =	stream.linear.scatter [tilespmem:s0], [sflag:$0x5], $0x2000, $0x38;
	[tilespmem:$0x1DEC0] =	vst v63  }
0x84: {  	_ =	swait.ge [sflag:s31], $0x2000  }
0x85: {  	[sflag:s31] =	ssyncset.done $0x0  }
0x86: {  	s20 =	rddreg [dreg:$0xd];
	[sflag:s31] =	ssyncadd.s32 $0xFFFFE000  }
0x87: {  	[spmem:s20] =	stream.linear.scatter [tilespmem:s0], [sflag:$0x5], $0x2000, $0x38;
	[tilespmem:$0x1DEC0] =	vst v63  }
0x88: {  	_ =	swait.ge [sflag:s31], $0x2000  }
0x89: {  	[sflag:s31] =	ssyncset.done $0x0  }
0x8a: {  	s25 =	rddreg [dreg:$0xe];
	[sflag:s31] =	ssyncadd.s32 $0xFFFFE000  }
0x8b: {  	[spmem:s25] =	stream.linear.scatter [tilespmem:s0], [sflag:$0x5], $0x2000, $0x38;
	[tilespmem:$0x1DEC0] =	vst v63  }
0x8c: {  	_ =	swait.ge [sflag:s31], $0x2000  }
0x8d: {  	[sflag:s31] =	ssyncset.done $0x0  }
0x8e: {  	s26 =	rddreg [dreg:$0xf];
	[sflag:s31] =	ssyncadd.s32 $0xFFFFE000  }
0x8f: {  	[spmem:s26] =	stream.linear.scatter [tilespmem:s0], [sflag:$0x5], $0x2000, $0x38;
	[tilespmem:$0x1DEC0] =	vst v63  }
0x90: {  	_ =	swait.ge [sflag:s31], $0x2000  }
0x91: {  	[sflag:s31] =	ssyncset.done $0x0  }
0x92: {  	s28 =	rddreg [dreg:$0x10];
	[sflag:s31] =	ssyncadd.s32 $0xFFFFE000  }
0x93: {  	[spmem:s28] =	stream.linear.scatter [tilespmem:s0], [sflag:$0x5], $0x2000, $0x38;
	[tilespmem:$0x1DEC0] =	vst v63  }
0x94: {  	_ =	swait.ge [sflag:s31], $0x2000  }
0x95: {  	[sflag:s31] =	ssyncset.done $0x0  }
0x96: {  	s29 =	simm.s32 $0xBA00;
	[sflag:s31] =	ssyncadd.s32 $0xFFFFE000  }
0x97: {  	[spmem:s22] =	stream.linear.scatter [tilespmem:s29], [sflag:$0x5], $0x1000, $0x38;
	[tilespmem:$0x1DEC0] =	vst v63  }
0x98: {  	_ =	swait.ge [sflag:s31], $0x1000  }
0x99: {  	[sflag:s31] =	ssyncset.done $0x0  }
0x9a: {  	s18 =	simm.s32 @!p0 $0x9A00;
	s19 =	rddreg [dreg:$0x12];
	[sflag:s31] =	ssyncadd.s32 $0xFFFFF000  }
0x9b: {  	[spmem:s19] =	stream.linear.scatter @!p0 [tilespmem:s18], [sflag:$0x5], $0x2000, $0x38;
	[tilespmem:$0x1DEC0] =	vst v63  }
0x9c: {  	s19 =	simm.s32 @!p0 $0x5  }
0x9d: {  	_ =	swait.ge @!p0 [sflag:s19], $0x2000  }
0x9e: {  	[sflag:s19] =	ssyncset.done @!p0 $0x0  }
0x9f: {  	s20 =	rddreg [dreg:$0x15];
	[sflag:s19] =	ssyncadd.s32 @!p0 $0xFFFFE000  }
0xa0: {  	[spmem:s20] =	stream.linear.scatter @!p0 [tilespmem:s18], [sflag:$0x5], $0x2000, $0x38;
	[tilespmem:$0x1DEC0] =	vst v63  }
0xa1: {  	s17 =	sadd.s32 $0x1, s17;
	_ =	swait.ge @!p0 [sflag:s19], $0x2000  }
0xa2: {  	p1 =	sne.s32 s17, $0x10;
	[sflag:s19] =	ssyncset.done @!p0 $0x0  }
0xa3: {  	s18 =	simm.s32 @!p0 $0xBA00;
	s20 =	rddreg [dreg:$0x16];
	[sflag:s19] =	ssyncadd.s32 @!p0 $0xFFFFE000  }
0xa4: {  	[spmem:s20] =	stream.linear.scatter @!p0 [tilespmem:s18], [sflag:$0x5], $0x400, $0x38;
	[tilespmem:$0x1DEC0] =	vst v63  }
.Ltmp5:
0xa5: {  	_ =	swait.ge @!p0 [sflag:s19], $0x400;
	(pc) =	sbr.rel @!p1 .LBB2_14-.Ltmp5, $3  }
0xa6: {  	[sflag:s19] =	ssyncset.done @!p0 $0x0  }
0xa7: {  	[sflag:s19] =	ssyncadd.s32 @!p0 $0xFFFFFC00  }
0xa8: {  	[bflag:$0x0] =	sbarrier.arrive $0xFFFF;
	_ =	sdelay $0x1  }
.LBB2_6:
0xa9: {  	_ =	sdelay $0x3  }
0xaa: {  	v2 =	vld.idx.msk [tilespmem:v1+s17+$0xCA00 ss:$0x1], $0xffff;
	_ =	sdelay $0x4  }
0xab: {  	(v2sf) =	vpush v2, $0x0;
	_ =	sdelay $0x6  }
0xac: {  	(v2sf) =	vpush v2, $0x1;
	_ =	sdelay $0x7  }
0xad: {  	s18 =	spop (v2sf)  }
0xae: {  	s19 =	sand.u32 $0x7, s18  }
0xaf: {  	s20 =	sshra.s32 s18, $0x1F;
	p1 =	slt.s32 s18, $0x1;
	p2 =	sne.s32 s19, $0x0  }
0xb0: {  	s25 =	sshrl.u32 s20, $0x1D;
	p1 =	por !p1, !p2  }
0xb1: {  	s19 =	simm.s32 $0x1;
	s18 =	sadd.s32 s25, s18;
	p1 =	por !p1, !p1  }
0xb2: {  	s18 =	sshrl.u32 s18, $0x3;
	s19 =	simm.s32 @!p1 $0x0  }
0xb3: {  	s19 =	ssub.s32 s18, s19  }
0xb4: {  	s18 =	spop (v2sf);
	s19 =	sshll.u32 s19, $0x3  }
0xb5: {  	s26 =	ssub.s32 s18, s19  }
0xb6: {  	s20 =	sadd.s32 $0x7FF, s26  }
0xb7: {  	s22 =	sand.u32 $0x7FF, s20  }
0xb8: {  	s25 =	sshra.s32 s20, $0x1F;
	p5 =	slt.s32 s20, $0x1;
	p6 =	sne.s32 s22, $0x0  }
0xb9: {  	s28 =	sshrl.u32 s25, $0x15;
	p1 =	por !p5, !p6  }
0xba: {  	s22 =	simm.s32 $0x1;
	s20 =	sadd.s32 s28, s20;
	p1 =	por !p1, !p1  }
0xbb: {  	s20 =	sshra.s32 s20, $0xB;
	s22 =	simm.s32 @!p1 $0x0  }
0xbc: {  	s20 =	ssub.s32 s20, s22  }
0xbd: {  	p1 =	slt.s32 s20, $0x1  }
.Ltmp6:
0xbe: {  	_ = 	snop;
	(pc) =	sbr.rel @p1 .LBB2_13-.Ltmp6, $4  }
0xbf: {  	_ = 	snop  }
0xc0: {  	s29 =	rddreg [dreg:$0x13]  }
0xc1: {  	s22 =	sadd.s32 s29, s17  }
0xc2: {  	s22 =	sshll.u32 s22, $0x9  }
.Ltmp7:
0xc3: {  	(pc) =	sbr.rel .LBB2_8-.Ltmp7, $2  }
0xc4: {  	_ =	sdelay $0x2  }
0xc5: {  	v2 =	vmov s22;
	s26 =	simm.s32 $0x0  }
.LBB2_11:
0xc6: {  	[sflag:s31] =	ssyncset.done $0x0  }
0xc7: {  	[sflag:s31] =	ssyncadd.s32 $0xFFFFF800  }
.LBB2_12:
0xc8: {  	s26 =	sadd.s32 $0x1, s26  }
0xc9: {  	p1 =	sne.s32 s26, s20  }
.Ltmp8:
0xca: {  	_ = 	snop;
	(pc) =	sbr.rel @!p1 .LBB2_13-.Ltmp8, $1  }
0xcb: {  	_ =	sdelay $0x3  }
.LBB2_8:
0xcc: {  	s25 =	sshll.u32 s26, $0xB  }
0xcd: {  	s25 =	sadd.s32 s19, s25  }
0xce: {  	s28 =	sshrl.u32 s25, $0x3;
	s25 =	ssub.s32 s18, s25  }
0xcf: {  	s29 =	sadd.s32 s7, s28;
	p1 =	slt.s32 s25, $0x800  }
0xd0: {  	[tilespmem:s5], [sflag:$0x2] =	stream.linear.gather [hbm4b:s29+s5], $0x800, $0x38;
	[tilespmem:$0x1DEC0] =	vst v63  }
0xd1: {  	p2 =	slt.s32 s25, $0xFFFFFFF2;
	s25 =	simm.s32 @!p1 $0x800  }
0xd2: {  	s28 =	sadd.s32 s8, s28;
	s25 =	sadd.s32 $0xF, s25  }
0xd3: {  	[tilespmem:s24], [sflag:$0x4] =	stream.linear.gather [hbm4b:s28+s5], $0x800, $0x38;
	[tilespmem:$0x1DEC0] =	vst v63  }
0xd4: {  	s28 =	sshra.s32 s25, $0x1F;
	s29 =	sand.u32 $0xF, s25  }
0xd5: {  	s28 =	sshrl.u32 s28, $0x1C;
	p4 =	sne.s32 s29, $0x0  }
0xd6: {  	s25 =	sadd.s32 s28, s25;
	p1 =	por !p2, !p4  }
0xd7: {  	s28 =	simm.s32 $0x1;
	s25 =	sshra.s32 s25, $0x4;
	p1 =	por !p1, !p1  }
0xd8: {  	s25 =	ssub.s32 s25, s9;
	s28 =	simm.s32 @!p1 $0x0  }
0xd9: {  	s25 =	ssub.s32 s25, s28  }
0xda: {  	s28 =	sadd.s32 $0xF, s25  }
0xdb: {  	s29 =	sand.u32 $0xF, s28  }
0xdc: {  	p5 =	slt.s32 s25, $0xFFFFFFF2;
	s25 =	sshra.s32 s28, $0x1F;
	p6 =	sne.s32 s29, $0x0  }
0xdd: {  	s25 =	sshrl.u32 s25, $0x1C;
	p1 =	por !p5, !p6  }
0xde: {  	s25 =	sadd.s32 s25, s28;
	s28 =	simm.s32 $0x1;
	p1 =	por !p1, !p1  }
0xdf: {  	s25 =	sshra.s32 s25, $0x4;
	s28 =	simm.s32 @!p1 $0x0  }
0xe0: {  	s25 =	ssub.s32 s25, s28  }
0xe1: {  	_ =	swait.ge [sflag:s2], $0x800;
	p1 =	slt.s32 s25, $0x1  }
.Ltmp9:
0xe2: {  	[sflag:s2] =	ssyncset.done $0x0;
	(pc) =	sbr.rel @p1 .LBB2_12-.Ltmp9, $4  }
0xe3: {  	[sflag:s2] =	ssyncadd.s32 $0xFFFFF800  }
0xe4: {  	_ =	swait.ge [sflag:s30], $0x800  }
0xe5: {  	[sflag:s30] =	ssyncset.done $0x0  }
0xe6: {  	[sflag:s30] =	ssyncadd.s32 $0xFFFFF800  }
0xe7: {  	v3 =	vld [tilespmem:s12+$0x0]  }
0xe8: {  	v4 =	vld [tilespmem:s21+$0x0];
	_ =	sdelay $0x3  }
0xe9: {  	v3 =	vsub.s32 v3, v2  }
0xea: {  	[tilespmem:$0x1000] =	vst v4;
	v3 =	vmin.u32 v3, $0x200  }
0xeb: {  	[tilespmem:$0x1100] =	vst v3  }
0xec: {  	[tilespmem:s23], [sflag:$0x1] =	stream.indirect.gather [hbm4b:s6+s11], $0x800, s13, s11, $0xb8;
	[tilespmem:$0x1DEC0] =	vst v63  }
0xed: {  	_ = 	snop  }
0xee: {  	[tilespmem:s14], [sflag:$0x3] =	stream.indirect.gather [hbm4b:s1+s11], $0x80, s13, s11, $0xb8;
	[tilespmem:$0x1DEC0] =	vst v63  }
0xef: {  	_ =	swait.ge [sflag:s10], $0x8000  }
0xf0: {  	[sflag:s10] =	ssyncset.done $0x0  }
0xf1: {  	[sflag:s10] =	ssyncadd.s32 $0xFFFF8000  }
0xf2: {  	[spmem:s3] =	stream.indirect.scatter.add.f32 [tilespmem:s23], [sflag:$0x5], $0x800, s15, s11, $0xb8;
	[tilespmem:$0x1DEC0] =	vst v63  }
0xf3: {  	_ =	swait.ge [sflag:s31], $0x8000  }
0xf4: {  	[sflag:s31] =	ssyncset.done $0x0  }
0xf5: {  	p1 =	sne.s32 s25, $0x1;
	[sflag:s31] =	ssyncadd.s32 $0xFFFF8000  }
.Ltmp10:
0xf6: {  	_ =	swait.ge [sflag:s16], $0x800;
	(pc) =	sbr.rel @!p1 .LBB2_11-.Ltmp10, $4  }
0xf7: {  	[sflag:s16] =	ssyncset.done $0x0  }
0xf8: {  	s28 =	sadd.s32 $0xFFFFFFFF, s25;
	[sflag:s16] =	ssyncadd.s32 $0xFFFFF800  }
0xf9: {  	[spmem:s4] =	stream.indirect.scatter.add.f32 [tilespmem:s14], [sflag:$0x5], $0x80, s15, s11, $0xb8;
	[tilespmem:$0x1DEC0] =	vst v63  }
0xfa: {  	s29 =	smov.u32 s12;
	s25 =	smov.u32 s21;
	_ =	swait.ge [sflag:s31], $0x800  }
.LBB2_10:
0xfb: {  	[sflag:s31] =	ssyncset.done $0x0;
	s29 =	sadd.s32 $0x100, s29;
	s25 =	sadd.s32 $0x100, s25  }
0xfc: {  	p1 =	sne.s32 s28, $0x1;
	s28 =	sadd.s32 $0xFFFFFFFF, s28;
	[sflag:s31] =	ssyncadd.s32 $0xFFFFF800  }
0xfd: {  	v3 =	vld [tilespmem:s29+$0x0]  }
0xfe: {  	v4 =	vld [tilespmem:s25+$0x0];
	_ =	sdelay $0x3  }
0xff: {  	v3 =	vsub.s32 v3, v2  }
0x100: {  	[tilespmem:$0x1000] =	vst v4;
	v3 =	vmin.u32 v3, $0x200  }
0x101: {  	[tilespmem:$0x1100] =	vst v3  }
0x102: {  	[tilespmem:s23], [sflag:$0x1] =	stream.indirect.gather [hbm4b:s6+s11], $0x800, s13, s11, $0xb8;
	[tilespmem:$0x1DEC0] =	vst v63  }
0x103: {  	_ = 	snop  }
0x104: {  	[tilespmem:s14], [sflag:$0x3] =	stream.indirect.gather [hbm4b:s1+s11], $0x80, s13, s11, $0xb8;
	[tilespmem:$0x1DEC0] =	vst v63  }
0x105: {  	_ =	swait.ge [sflag:s10], $0x8000  }
0x106: {  	[sflag:s10] =	ssyncset.done $0x0  }
0x107: {  	[sflag:s10] =	ssyncadd.s32 $0xFFFF8000  }
0x108: {  	[spmem:s3] =	stream.indirect.scatter.add.f32 [tilespmem:s23], [sflag:$0x5], $0x800, s15, s11, $0xb8;
	[tilespmem:$0x1DEC0] =	vst v63  }
0x109: {  	_ =	swait.ge [sflag:s31], $0x8000  }
0x10a: {  	[sflag:s31] =	ssyncset.done $0x0  }
0x10b: {  	[sflag:s31] =	ssyncadd.s32 $0xFFFF8000  }
.Ltmp11:
0x10c: {  	_ =	swait.ge [sflag:s16], $0x800;
	(pc) =	sbr.rel @p1 .LBB2_10-.Ltmp11, $4  }
0x10d: {  	[sflag:s16] =	ssyncset.done $0x0  }
0x10e: {  	[sflag:s16] =	ssyncadd.s32 $0xFFFFF800  }
0x10f: {  	[spmem:s4] =	stream.indirect.scatter.add.f32 [tilespmem:s14], [sflag:$0x5], $0x80, s15, s11, $0xb8;
	[tilespmem:$0x1DEC0] =	vst v63  }
0x110: {  	_ =	swait.ge [sflag:s31], $0x800  }
.Ltmp12:
0x111: {  	_ = 	snop;
	(pc) =	sbr.rel .LBB2_11-.Ltmp12, $1  }
0x112: {  	_ =	sdelay $0x3  }
.LBB2_15:
0x113: {  	_ =	sfence.sel $0x180000  }
0x114: {  	[bflag:$0x0] =	sbarrier.arrive $0xFFFF  }
0x115: {  	_ =	strace $0x90000047  }
0x116: {  	[bflag:$0x2] =	sbarrier.arrive $0xFFFF  }
0x117: {  	s0 =	rddreg [dreg:$0x5]  }
0x118: {  	s0 =	sadd.s32 @!p0 $0x100000, s0  }
0x119: {  	[sflag:s0] =	ssyncadd.tile.s32 @!p0 $0x1;
	_ =	shalt  }
.Lfunc_end2:
_tile_overlayer_lowered:
.L_overlay_start_2:
0x11a: {  	(tag) =	ssettag $0x2  }
0x11b: {  	s0 =	rddreg [dreg:$0x0];
	s2 =	stileid.u32  }
0x11c: {  	s1 =	rddreg [dreg:$0x1];
	p0 =	sne.s32 s2, $0x0  }
0x11d: {  	s3 =	rddreg [dreg:$0x2];
	[bflag:$0x3] =	sbarrier.arrive $0xFFFF;
	s2 =	simm.s32 @!p0 $0x1C05  }
0x11e: {  	[timem:s3], [sflag:s2] =	dma.local @!p0 [hbm:s0], s1  }
0x11f: {  	s0 =	simm.s32 @!p0 $0x5  }
0x120: {  	_ =	swait.ge @!p0 [sflag:s0], s1  }
0x121: {  	s1 =	ssub.s32 @!p0 $0x0, s1;
	[sflag:s0] =	ssyncset.done @!p0 $0x0  }
0x122: {  	[sflag:s0] =	ssyncadd.s32 @!p0 s1  }
0x123: {  	[bflag:$0x3] =	sbarrier.arrive $0xFFFF  }
0x124: {  	_ =	shalt  }

</sc_bundles>
